<compile_context>
chip_gen: v7x
topology: tpu7x:2x2x1
jax: 0.10.2.dev20260603
libtpu: 0.0.44.dev20260713+nightly
codegen_flags: <defaults>
</compile_context>

<pallas_src>
import dataclasses

import jax
import jax.numpy as jnp
import numpy as np
from jax import lax
from jax.experimental import pallas as pl
from jax.experimental.pallas import tpu as pltpu
from jax.experimental.pallas import tpu_sc as plsc

N = 10000
E = 320000
D = 128
H = 8
Dh = 16
ED = 16
SCALE = Dh ** -0.5

NC = 2
NS = 16
HC = H // NC
HW = HC * Dh
EPT = E // NS
B = 80
NBLK = EPT // B
NROWBLK = N // 8
ACC_W = 80

_GQ = np.zeros((NC, D, D), np.float32)
_GA = np.zeros((NC, D, D), np.float32)
for _c in range(NC):
    for _j in range(HW):
        _GQ[_c, _c * HW + _j, _j] = 1.0
        _GA[_c, _c * HW + _j, HW + _j] = 1.0

_UN = np.zeros((NC, ACC_W, D), np.float32)
_VD = np.zeros((NC, ACC_W, D), np.float32)
for _c in range(NC):
    for _j in range(HW):
        _UN[_c, _j, _c * HW + _j] = 1.0
    for _h in range(HC):
        _VD[_c, HW + _h, (_c * HC + _h) * Dh:(_c * HC + _h + 1) * Dh] = 1.0


def _ln(y, g, b):
    m = jnp.mean(y, axis=-1, keepdims=True)
    v = jnp.mean((y - m) ** 2, axis=-1, keepdims=True)
    return (y - m) / jnp.sqrt(v + 1e-5) * g + b


def _tables_body(x_ref, wq_ref, bq_ref, m_ref, wkv_ref, bkv_ref,
                 qa_ref, kv_ref):
    x = x_ref[...]
    qs = jnp.dot(x, wq_ref[...], preferred_element_type=jnp.float32) \
        + bq_ref[...]
    qa_ref[0] = jnp.dot(qs, m_ref[0], preferred_element_type=jnp.float32)
    kv_ref[0] = jnp.dot(x, wkv_ref[0],
                        preferred_element_type=jnp.float32) + bkv_ref[0]


_TBLK = 1000


def _build_tables(x, Wqs, bqs, M, WKV, bKV):
    full = lambda s: pl.BlockSpec(s, lambda c, i: tuple(0 for _ in s))
    return pl.pallas_call(
        _tables_body,
        grid=(NC, N // _TBLK),
        in_specs=[
            pl.BlockSpec((_TBLK, D), lambda c, i: (i, 0)),
            full((D, D)), full((1, D)),
            pl.BlockSpec((1, D, D), lambda c, i: (c, 0, 0)),
            pl.BlockSpec((1, D, D), lambda c, i: (c, 0, 0)),
            pl.BlockSpec((1, 1, D), lambda c, i: (c, 0, 0)),
        ],
        out_specs=[
            pl.BlockSpec((1, _TBLK, D), lambda c, i: (c, i, 0)),
            pl.BlockSpec((1, _TBLK, D), lambda c, i: (c, i, 0)),
        ],
        out_shape=[
            jax.ShapeDtypeStruct((NC, N, D), jnp.float32),
            jax.ShapeDtypeStruct((NC, N, D), jnp.float32),
        ],
    )(x, Wqs, bqs, M, WKV, bKV)


def _sc_body(qa_hbm, kv_hbm, dst_hbm, src_hbm, ea_hbm, zeros_hbm, out_hbm,
             dstb0, dstb1, srcb0, srcb1, gdst0, gdst1, qab0, qab1,
             kvb0, kvb1, eab0, eab1, msgb, acc,
             semi0, semi1, semga0, semga1, semgk0, semgk1):
    cid = lax.axis_index("c")
    sid = lax.axis_index("s")
    dstb = (dstb0, dstb1)
    srcb = (srcb0, srcb1)
    gdst = (gdst0, gdst1)
    qab = (qab0, qab1)
    kvb = (kvb0, kvb1)
    eab = (eab0, eab1)
    semi = (semi0, semi1)
    semga = (semga0, semga1)
    semgk = (semgk0, semgk1)

    @pl.loop(0, (NROWBLK + NS - 1) // NS)
    def _zero(j):
        blk = j * NS + sid

        @pl.when(blk < NROWBLK)
        def _():
            row = pl.multiple_of(blk * 8, 8)
            pltpu.sync_copy(zeros_hbm, acc.at[pl.ds(row, 8)])

    plsc.subcore_barrier()

    ebase = sid * EPT
    lane = lax.broadcasted_iota(jnp.int32, (16,), 0)
    coff = lax.broadcast(cid * N, (16,))

    def _base(jj):
        return pl.multiple_of(ebase + jj * B, 8)

    def _issue_idx(jj, s):
        base = _base(jj)
        pltpu.async_copy(dst_hbm.at[pl.ds(base, B)], dstb[s], semi[s])
        pltpu.async_copy(src_hbm.at[pl.ds(base, B)], srcb[s], semi[s])
        pltpu.async_copy(ea_hbm.at[pl.ds(base, B)], eab[s], semi[s])

    def _wait_idx(jj, s):
        base = _base(jj)
        pltpu.make_async_copy(dst_hbm.at[pl.ds(base, B)], dstb[s],
                              semi[s]).wait()
        pltpu.make_async_copy(src_hbm.at[pl.ds(base, B)], srcb[s],
                              semi[s]).wait()
        pltpu.make_async_copy(ea_hbm.at[pl.ds(base, B)], eab[s],
                              semi[s]).wait()

    def _issue_gather(s):
        for k in range(B // 16):
            sl = pl.ds(k * 16, 16)
            gdst[s][sl] = dstb[s][sl] + coff
            srcb[s][sl] = srcb[s][sl] + coff
        pltpu.async_copy(qa_hbm.at[gdst[s]], qab[s], semga[s])
        pltpu.async_copy(kv_hbm.at[srcb[s]], kvb[s], semgk[s])

    def _wait_gather(s):
        pltpu.make_async_copy(qa_hbm.at[gdst[s]], qab[s], semga[s]).wait()
        pltpu.make_async_copy(kv_hbm.at[srcb[s]], kvb[s], semgk[s]).wait()

    def _compute(s):
        def _sums(i):
            eav = eab[s][i, :]
            res = []
            for h in range(HC):
                qh = qab[s][i, pl.ds(h * Dh, 16)]
                ah = qab[s][i, pl.ds(HW + h * Dh, 16)]
                kh = kvb[s][i, pl.ds(h * Dh, 16)]
                t = qh * kh + ah * eav
                res.append(jnp.exp(lax.broadcast(jnp.sum(t), (16,))))
            return tuple(res)

        def _body(i, exvs):
            nxt = _sums(jnp.minimum(i + 1, B - 1))
            dvec = jnp.zeros((16,), jnp.float32)
            for h in range(HC):
                vh = kvb[s][i, pl.ds(HW + h * Dh, 16)]
                msgb[i, pl.ds(h * Dh, 16)] = exvs[h] * vh
                dvec = jnp.where(lane == h, exvs[h], dvec)
            msgb[i, pl.ds(HW, 16)] = dvec
            return nxt

        lax.fori_loop(0, B, _body, _sums(0))

    _issue_idx(0, 0)
    _wait_idx(0, 0)
    _issue_gather(0)
    _issue_idx(1, 1)

    @pl.loop(0, NBLK // 2)
    def _blk(j):
        for p in (0, 1):
            jj = 2 * j + p
            q = 1 - p

            @pl.when(jj + 1 < NBLK)
            def _():
                _wait_idx(jj + 1, q)
                _issue_gather(q)

            _wait_gather(p)
            _compute(p)
            pltpu.sync_copy(msgb, acc.at[dstb[p]], add=True)

            @pl.when(jj + 2 < NBLK)
            def _():
                _issue_idx(jj + 2, p)

    plsc.subcore_barrier()

    @pl.loop(0, (NROWBLK + NS - 1) // NS)
    def _dump(j):
        blk = j * NS + sid

        @pl.when(blk < NROWBLK)
        def _():
            row = pl.multiple_of(blk * 8, 8)
            orow = pl.multiple_of(cid * N + blk * 8, 8)
            pltpu.sync_copy(acc.at[pl.ds(row, 8)],
                            out_hbm.at[pl.ds(orow, 8)])


def _run_edges(qa, kv, dst, src, edge_attr, zeros):
    mesh = plsc.VectorSubcoreMesh(core_axis_name="c", subcore_axis_name="s")
    cp = pltpu.CompilerParams(use_tc_tiling_on_sc=False)
    if "needs_layout_passes" in pltpu.CompilerParams.__dataclass_fields__:
        cp = dataclasses.replace(cp, needs_layout_passes=False)
    f = pl.kernel(
        _sc_body,
        out_type=jax.ShapeDtypeStruct((NC * N, ACC_W), jnp.float32),
        mesh=mesh,
        compiler_params=cp,
        scratch_types=(
            [pltpu.VMEM((B,), jnp.int32)] * 6
            + [pltpu.VMEM((B, D), jnp.float32)] * 4
            + [pltpu.VMEM((B, ED), jnp.float32)] * 2
            + [pltpu.VMEM((B, ACC_W), jnp.float32),
               pltpu.VMEM_SHARED((N, ACC_W), jnp.float32)]
            + [pltpu.SemaphoreType.DMA] * 6
        ),
    )
    return f(qa, kv, dst, src, edge_attr, zeros)


def _final_body(p0_ref, p1_ref, x_ref, un_ref, vd_ref, wo_ref, bo_ref,
                w1_ref, b1_ref, w2_ref, b2_ref, g1_ref, be1_ref, g2_ref,
                be2_ref, out_ref):
    p0 = p0_ref[...]
    p1 = p1_ref[...]
    numer = jnp.dot(p0, un_ref[0], preferred_element_type=jnp.float32) \
        + jnp.dot(p1, un_ref[1], preferred_element_type=jnp.float32)
    denr = jnp.dot(p0, vd_ref[0], preferred_element_type=jnp.float32) \
        + jnp.dot(p1, vd_ref[1], preferred_element_type=jnp.float32)
    ao = numer / jnp.maximum(denr, 1e-30)
    y = jnp.dot(ao, wo_ref[...],
                preferred_element_type=jnp.float32) + bo_ref[...]
    x1 = _ln(y + x_ref[...], g1_ref[...], be1_ref[...])
    hh = jnp.dot(x1, w1_ref[...],
                 preferred_element_type=jnp.float32) + b1_ref[...]
    hh = hh * 0.5 * (1.0 + lax.erf(hh * (2.0 ** -0.5)))
    hh = jnp.dot(hh, w2_ref[...],
                 preferred_element_type=jnp.float32) + b2_ref[...]
    out_ref[...] = _ln(hh + x1, g2_ref[...], be2_ref[...])


def _finish(parts, x, UN, VD, Wo, bo, W1, b1, W2, b2, g1, be1, g2, be2):
    full = lambda s: pl.BlockSpec(s, lambda i: tuple(0 for _ in s))
    nblk = N // _TBLK
    return pl.pallas_call(
        _final_body,
        grid=(nblk,),
        in_specs=[
            pl.BlockSpec((_TBLK, ACC_W), lambda i: (i, 0)),
            pl.BlockSpec((_TBLK, ACC_W), lambda i, _n=nblk: (i + _n, 0)),
            pl.BlockSpec((_TBLK, D), lambda i: (i, 0)),
            full((NC, ACC_W, D)), full((NC, ACC_W, D)),
            full((D, D)), full((1, D)),
            full((D, 2 * D)), full((1, 2 * D)),
            full((2 * D, D)), full((1, D)),
            full((1, D)), full((1, D)), full((1, D)), full((1, D)),
        ],
        out_specs=pl.BlockSpec((_TBLK, D), lambda i: (i, 0)),
        out_shape=jax.ShapeDtypeStruct((N, D), jnp.float32),
    )(parts, parts, x, UN, VD, Wo, bo, W1, b1, W2, b2, g1, be1, g2, be2)


def kernel(x, edge_index, edge_attr, Wq, bq, Wk, bk, Wv, bv, We, be,
           Wo, bo, W1, b1, W2, b2, g1, be1, g2, be2):
    ei = edge_index.astype(jnp.int32)
    src = ei[0]
    dst = ei[1]

    blocks = We.reshape(ED, H, Dh).transpose(1, 2, 0)
    Wblk = jax.scipy.linalg.block_diag(*[blocks[h] for h in range(H)])

    gq = jnp.asarray(_GQ)
    ga = jnp.asarray(_GA)
    M = gq + jnp.einsum("ij,cjk->cik", Wblk, ga)
    WKV = (jnp.einsum("ij,cjk->cik", Wk, gq)
           + jnp.einsum("ij,cjk->cik", Wv, ga))
    bKV = (jnp.einsum("j,cjk->ck", bk, gq)
           + jnp.einsum("j,cjk->ck", bv, ga))[:, None, :]

    qa, kv = _build_tables(x, Wq * SCALE, (bq * SCALE).reshape(1, D),
                           M, WKV, bKV)
    zeros = jnp.zeros((8, ACC_W), jnp.float32)
    parts = _run_edges(qa.reshape(NC * N, D), kv.reshape(NC * N, D),
                       dst, src, edge_attr, zeros)
    r1 = lambda v: v.reshape(1, -1)
    x2 = _finish(parts, x, jnp.asarray(_UN), jnp.asarray(_VD),
                 Wo, r1(bo), W1, r1(b1), W2, r1(b2),
                 r1(g1), r1(be1), r1(g2), r1(be2))
    return (x2, edge_attr)

# --- scband reference (transcript-rebuilt; emitter-appended) ---
"""Pipeline reference for scband-graph-transformer-layer-38628935860832 (READ-ONLY COPY).

The authoritative reference and input builder live on the scoring server;
editing this copy changes nothing except your own understanding.
"""

import jax, jax.numpy as jnp
import numpy as np

N = 10000
E = 320000
D = 128
H = 8
Dh = D // H
ED = 16


def _init_linear(key, fan_in, fan_out):
    k1, k2 = jax.random.split(key)
    bound = 1.0 / np.sqrt(fan_in)
    W = jax.random.uniform(k1, (fan_in, fan_out), minval=-bound, maxval=bound, dtype=jnp.float32)
    b = jax.random.uniform(k2, (fan_out,), minval=-bound, maxval=bound, dtype=jnp.float32)
    return W, b


def setup_inputs(seed: int = 0) -> dict:
    key = jax.random.key(seed)
    keys = jax.random.split(key, 12)
    x = jax.random.normal(keys[0], (N, D), dtype=jnp.float32)
    edge_index = jax.random.randint(keys[1], (2, E), 0, N, dtype=jnp.int64)
    edge_attr = jax.random.normal(keys[2], (E, ED), dtype=jnp.float32)
    Wq, bq = _init_linear(keys[3], D, D)
    Wk, bk = _init_linear(keys[4], D, D)
    Wv, bv = _init_linear(keys[5], D, D)
    We, be = _init_linear(keys[6], ED, D)
    Wo, bo = _init_linear(keys[7], D, D)
    W1, b1 = _init_linear(keys[8], D, 2 * D)
    W2, b2 = _init_linear(keys[9], 2 * D, D)
    g1 = jnp.ones((D,), dtype=jnp.float32)
    be1 = jnp.zeros((D,), dtype=jnp.float32)
    g2 = jnp.ones((D,), dtype=jnp.float32)
    be2 = jnp.zeros((D,), dtype=jnp.float32)
    return {"x": x, "edge_index": edge_index, "edge_attr": edge_attr,
            "Wq": Wq, "bq": bq, "Wk": Wk, "bk": bk, "Wv": Wv, "bv": bv,
            "We": We, "be": be, "Wo": Wo, "bo": bo,
            "W1": W1, "b1": b1, "W2": W2, "b2": b2,
            "g1": g1, "be1": be1, "g2": g2, "be2": be2}


def _layer_norm(x, g, b, eps=1e-5):
    m = jnp.mean(x, axis=-1, keepdims=True)
    v = jnp.mean((x - m) ** 2, axis=-1, keepdims=True)
    return (x - m) / jnp.sqrt(v + eps) * g + b


def reference(x, edge_index, edge_attr, Wq, bq, Wk, bk, Wv, bv, We, be, Wo, bo, W1, b1, W2, b2, g1, be1, g2, be2):
    src = edge_index[0]
    dst = edge_index[1]
    scale = Dh ** (-0.5)
    q = (x @ Wq + bq).reshape(N, H, Dh)
    k = (x @ Wk + bk).reshape(N, H, Dh)
    v = (x @ Wv + bv).reshape(N, H, Dh)
    q_dst = q[dst]
    k_src = k[src]
    logits = jnp.sum(q_dst * k_src, axis=-1) * scale
    e = (edge_attr @ We + be).reshape(E, H, Dh)
    logits = logits + jnp.sum(q_dst * e, axis=-1) * scale
    # scatter softmax over destination nodes
    seg_max = jax.ops.segment_max(logits, dst, num_segments=N)
    ex = jnp.exp(logits - seg_max[dst])
    denom = jax.ops.segment_sum(ex, dst, num_segments=N)
    attn = ex / denom[dst]
    messages = attn[:, :, None] * v[src]
    out = jax.ops.segment_sum(messages, dst, num_segments=N).reshape(N, D)
    out = out @ Wo + bo
    # residual + LN1
    x1 = _layer_norm(out + x, g1, be1)
    # FFN
    h = jax.nn.gelu(x1 @ W1 + b1, approximate=False)
    h = h @ W2 + b2
    x2 = _layer_norm(h + x1, g2, be2)
    # edge_update disabled -> edge_attr passes through unchanged
    return (x2, edge_attr)

if __name__ == "__main__":
    import jax
    _d = setup_inputs()
    print(jax.jit(kernel)(*tuple(_d.values())))

</pallas_src>

<mosaic_0001>
#map = affine_map<(d0, d1) -> (0, 0)>
#map1 = affine_map<(d0, d1) -> (0)>
module attributes {stable_mosaic.version = 14 : i64} {
  func.func @_sc_body(%arg0: i32, %arg1: i32, %arg2: memref<20000x128xf32, #tpu.memory_space<hbm>>, %arg3: memref<20000x128xf32, #tpu.memory_space<hbm>>, %arg4: memref<320000xi32, #tpu.memory_space<hbm>>, %arg5: memref<320000xi32, #tpu.memory_space<hbm>>, %arg6: memref<320000x16xf32, #tpu.memory_space<hbm>>, %arg7: memref<8x80xf32, #tpu.memory_space<hbm>>, %arg8: memref<20000x80xf32, #tpu.memory_space<hbm>>, %arg9: memref<80xi32, #tpu.memory_space<vmem>>, %arg10: memref<80xi32, #tpu.memory_space<vmem>>, %arg11: memref<80xi32, #tpu.memory_space<vmem>>, %arg12: memref<80xi32, #tpu.memory_space<vmem>>, %arg13: memref<80xi32, #tpu.memory_space<vmem>>, %arg14: memref<80xi32, #tpu.memory_space<vmem>>, %arg15: memref<80x128xf32, #tpu.memory_space<vmem>>, %arg16: memref<80x128xf32, #tpu.memory_space<vmem>>, %arg17: memref<80x128xf32, #tpu.memory_space<vmem>>, %arg18: memref<80x128xf32, #tpu.memory_space<vmem>>, %arg19: memref<80x16xf32, #tpu.memory_space<vmem>>, %arg20: memref<80x16xf32, #tpu.memory_space<vmem>>, %arg21: memref<80x80xf32, #tpu.memory_space<vmem>>, %arg22: memref<10000x80xf32, #tpu.memory_space<vmem_shared>>, %arg23: memref<!tpu.dma_semaphore, #tpu.memory_space<semaphore_mem>>, %arg24: memref<!tpu.dma_semaphore, #tpu.memory_space<semaphore_mem>>, %arg25: memref<!tpu.dma_semaphore, #tpu.memory_space<semaphore_mem>>, %arg26: memref<!tpu.dma_semaphore, #tpu.memory_space<semaphore_mem>>, %arg27: memref<!tpu.dma_semaphore, #tpu.memory_space<semaphore_mem>>, %arg28: memref<!tpu.dma_semaphore, #tpu.memory_space<semaphore_mem>>) attributes {dimension_semantics = [#tpu.dimension_semantics<core_parallel>, #tpu.dimension_semantics<subcore_parallel>], iteration_bounds = array<i64: 2, 16>, scalar_prefetch = 0 : i64, scratch_operands = 20 : i64, tpu.core_type = #tpu.core_type<sc_vector_subcore>, window_params = [{transform_indices = #map}, {transform_indices = #map}, {transform_indices = #map1}, {transform_indices = #map1}, {transform_indices = #map}, {transform_indices = #map}, {transform_indices = #map}]} {
    %scan3A = arith.constant 0 : i32
    %scan3A_0 = arith.constant 79 : i32
    %scan3A_1 = arith.addi %scan3A, %scan3A_0 : i32
    %scan3A_2 = arith.constant 1 : i32
    scf.for %scan3A_101 = %scan3A to %scan3A_1 step %scan3A_2  : i32 {
      %mul3A_102 = arith.constant 1 : i32
      %mul3A_103 = arith.muli %scan3A_101, %mul3A_102 : i32
      %add3A_104 = arith.constant 0 : i32
      %add3A_105 = arith.addi %add3A_104, %mul3A_103 : i32
      %mul3A_106 = arith.constant 16 : i32
      %mul3A_107 = arith.muli %add3A_105, %mul3A_106 : i32
      %add3A_108 = arith.addi %mul3A_107, %arg1 : i32
      %lt3A = arith.constant 1250 : i32
      %lt3A_109 = arith.cmpi slt, %add3A_108, %lt3A : i32
      %convert_element_type3A = arith.extui %lt3A_109 : i1 to i32
      %cond3A = arith.constant 0 : i32
      %cond3A_110 = arith.cmpi ne, %convert_element_type3A, %cond3A : i32
      scf.if %cond3A_110 {
        %mul3A_111 = arith.constant 8 : i32
        %mul3A_112 = arith.muli %add3A_108, %mul3A_111 : i32
        %multiple_of3A_113 = tpu.assume_multiple %mul3A_112, 8 : i32
        "tpu.region"() ({
          %run_scoped3A = tpu.sem_alloc : memref<!tpu.dma_semaphore, #tpu.memory_space<semaphore_mem>>
          %dma_start3A_114 = arith.constant 0 : i32
          %dma_start3A_115 = tpu.memref_slice %arg22[%multiple_of3A_113, %dma_start3A_114] : memref<10000x80xf32, #tpu.memory_space<vmem_shared>> -> memref<8x80xf32, #tpu.memory_space<vmem_shared>>
          tpu.enqueue_dma source(%arg7 : memref<8x80xf32, #tpu.memory_space<hbm>>) target(%dma_start3A_115 : memref<8x80xf32, #tpu.memory_space<vmem_shared>>) target_semaphore(%run_scoped3A : memref<!tpu.dma_semaphore, #tpu.memory_space<semaphore_mem>>)
          %dma_wait3A_116 = arith.constant 0 : i32
          %dma_wait3A_117 = tpu.memref_slice %arg22[%multiple_of3A_113, %dma_wait3A_116] : memref<10000x80xf32, #tpu.memory_space<vmem_shared>> -> memref<8x80xf32, #tpu.memory_space<vmem_shared>>
          tpu.wait_dma2 semaphore(%run_scoped3A : memref<!tpu.dma_semaphore, #tpu.memory_space<semaphore_mem>>) src(%arg7 : memref<8x80xf32, #tpu.memory_space<hbm>>) dst(%dma_wait3A_117 : memref<8x80xf32, #tpu.memory_space<vmem_shared>>)
          tpu.yield
        }) : () -> ()
      } else {
      }
    }
    %scan3A_3 = arith.constant 79 : i32
    %barrier3A = arith.constant 0 : index
    tpu.barrier barrier_id(%barrier3A)
    %mul3A = arith.constant 20000 : i32
    %mul3A_4 = arith.muli %arg1, %mul3A : i32
    %iota3A = tpu.iota {dimensions = array<i32: 0>} : vector<16xi32>
    %mul3A_5 = arith.constant 10000 : i32
    %mul3A_6 = arith.muli %arg0, %mul3A_5 : i32
    %broadcast_in_dim3A = vector.broadcast %mul3A_6 : i32 to vector<16xi32>
    %add3A = arith.constant 0 : i32
    %add3A_7 = arith.addi %mul3A_4, %add3A : i32
    %multiple_of3A = tpu.assume_multiple %add3A_7, 8 : i32
    %dma_start3A = tpu.memref_slice %arg4[%multiple_of3A] : memref<320000xi32, #tpu.memory_space<hbm>> -> memref<80xi32, #tpu.memory_space<hbm>>
    %dma_start3A_8 = tpu.memref_slice %arg4[%multiple_of3A] : memref<320000xi32, #tpu.memory_space<hbm>> -> memref<80xi32, #tpu.memory_space<hbm>>
    tpu.enqueue_dma source(%dma_start3A_8 : memref<80xi32, #tpu.memory_space<hbm>>) target(%arg9 : memref<80xi32, #tpu.memory_space<vmem>>) target_semaphore(%arg23 : memref<!tpu.dma_semaphore, #tpu.memory_space<semaphore_mem>>)
    %dma_start3A_9 = tpu.memref_slice %arg5[%multiple_of3A] : memref<320000xi32, #tpu.memory_space<hbm>> -> memref<80xi32, #tpu.memory_space<hbm>>
    %dma_start3A_10 = tpu.memref_slice %arg5[%multiple_of3A] : memref<320000xi32, #tpu.memory_space<hbm>> -> memref<80xi32, #tpu.memory_space<hbm>>
    tpu.enqueue_dma source(%dma_start3A_10 : memref<80xi32, #tpu.memory_space<hbm>>) target(%arg11 : memref<80xi32, #tpu.memory_space<vmem>>) target_semaphore(%arg23 : memref<!tpu.dma_semaphore, #tpu.memory_space<semaphore_mem>>)
    %dma_start3A_11 = arith.constant 0 : i32
    %dma_start3A_12 = tpu.memref_slice %arg6[%multiple_of3A, %dma_start3A_11] : memref<320000x16xf32, #tpu.memory_space<hbm>> -> memref<80x16xf32, #tpu.memory_space<hbm>>
    %dma_start3A_13 = arith.constant 0 : i32
    %dma_start3A_14 = tpu.memref_slice %arg6[%multiple_of3A, %dma_start3A_13] : memref<320000x16xf32, #tpu.memory_space<hbm>> -> memref<80x16xf32, #tpu.memory_space<hbm>>
    tpu.enqueue_dma source(%dma_start3A_14 : memref<80x16xf32, #tpu.memory_space<hbm>>) target(%arg19 : memref<80x16xf32, #tpu.memory_space<vmem>>) target_semaphore(%arg23 : memref<!tpu.dma_semaphore, #tpu.memory_space<semaphore_mem>>)
    %add3A_15 = arith.constant 0 : i32
    %add3A_16 = arith.addi %mul3A_4, %add3A_15 : i32
    %multiple_of3A_17 = tpu.assume_multiple %add3A_16, 8 : i32
    %dma_wait3A = tpu.memref_slice %arg4[%multiple_of3A_17] : memref<320000xi32, #tpu.memory_space<hbm>> -> memref<80xi32, #tpu.memory_space<hbm>>
    %dma_wait3A_18 = tpu.memref_slice %arg4[%multiple_of3A_17] : memref<320000xi32, #tpu.memory_space<hbm>> -> memref<80xi32, #tpu.memory_space<hbm>>
    tpu.wait_dma2 semaphore(%arg23 : memref<!tpu.dma_semaphore, #tpu.memory_space<semaphore_mem>>) src(%dma_wait3A_18 : memref<80xi32, #tpu.memory_space<hbm>>) dst(%arg9 : memref<80xi32, #tpu.memory_space<vmem>>)
    %dma_wait3A_19 = tpu.memref_slice %arg5[%multiple_of3A_17] : memref<320000xi32, #tpu.memory_space<hbm>> -> memref<80xi32, #tpu.memory_space<hbm>>
    %dma_wait3A_20 = tpu.memref_slice %arg5[%multiple_of3A_17] : memref<320000xi32, #tpu.memory_space<hbm>> -> memref<80xi32, #tpu.memory_space<hbm>>
    tpu.wait_dma2 semaphore(%arg23 : memref<!tpu.dma_semaphore, #tpu.memory_space<semaphore_mem>>) src(%dma_wait3A_20 : memref<80xi32, #tpu.memory_space<hbm>>) dst(%arg11 : memref<80xi32, #tpu.memory_space<vmem>>)
    %dma_wait3A_21 = arith.constant 0 : i32
    %dma_wait3A_22 = tpu.memref_slice %arg6[%multiple_of3A_17, %dma_wait3A_21] : memref<320000x16xf32, #tpu.memory_space<hbm>> -> memref<80x16xf32, #tpu.memory_space<hbm>>
    %dma_wait3A_23 = arith.constant 0 : i32
    %dma_wait3A_24 = tpu.memref_slice %arg6[%multiple_of3A_17, %dma_wait3A_23] : memref<320000x16xf32, #tpu.memory_space<hbm>> -> memref<80x16xf32, #tpu.memory_space<hbm>>
    tpu.wait_dma2 semaphore(%arg23 : memref<!tpu.dma_semaphore, #tpu.memory_space<semaphore_mem>>) src(%dma_wait3A_24 : memref<80x16xf32, #tpu.memory_space<hbm>>) dst(%arg19 : memref<80x16xf32, #tpu.memory_space<vmem>>)
    %get3A = arith.constant 0 : index
    %get3A_25 = tpu.vector_load %arg9[%get3A] {strides = array<i32>} : memref<80xi32, #tpu.memory_space<vmem>>, vector<16xi32>,
    %add3A_26 = arith.addi %get3A_25, %broadcast_in_dim3A : vector<16xi32>
    %swap3A = arith.constant 0 : index
    %swap3A_27 = tpu.vector_load %arg13[%swap3A] {strides = array<i32>} : memref<80xi32, #tpu.memory_space<vmem>>, vector<16xi32>,
    tpu.vector_store %arg13[%swap3A], %add3A_26 {strides = array<i32>} : memref<80xi32, #tpu.memory_space<vmem>>, vector<16xi32>,
    %get3A_28 = arith.constant 0 : index
    %get3A_29 = tpu.vector_load %arg11[%get3A_28] {strides = array<i32>} : memref<80xi32, #tpu.memory_space<vmem>>, vector<16xi32>,
    %add3A_30 = arith.addi %get3A_29, %broadcast_in_dim3A : vector<16xi32>
    %swap3A_31 = arith.constant 0 : index
    %swap3A_32 = tpu.vector_load %arg11[%swap3A_31] {strides = array<i32>} : memref<80xi32, #tpu.memory_space<vmem>>, vector<16xi32>,
    tpu.vector_store %arg11[%swap3A_31], %add3A_30 {strides = array<i32>} : memref<80xi32, #tpu.memory_space<vmem>>, vector<16xi32>,
    %get3A_33 = arith.constant 16 : index
    %get3A_34 = tpu.vector_load %arg9[%get3A_33] {strides = array<i32>} : memref<80xi32, #tpu.memory_space<vmem>>, vector<16xi32>,
    %add3A_35 = arith.addi %get3A_34, %broadcast_in_dim3A : vector<16xi32>
    %swap3A_36 = arith.constant 16 : index
    %swap3A_37 = tpu.vector_load %arg13[%swap3A_36] {strides = array<i32>} : memref<80xi32, #tpu.memory_space<vmem>>, vector<16xi32>,
    tpu.vector_store %arg13[%swap3A_36], %add3A_35 {strides = array<i32>} : memref<80xi32, #tpu.memory_space<vmem>>, vector<16xi32>,
    %get3A_38 = arith.constant 16 : index
    %get3A_39 = tpu.vector_load %arg11[%get3A_38] {strides = array<i32>} : memref<80xi32, #tpu.memory_space<vmem>>, vector<16xi32>,
    %add3A_40 = arith.addi %get3A_39, %broadcast_in_dim3A : vector<16xi32>
    %swap3A_41 = arith.constant 16 : index
    %swap3A_42 = tpu.vector_load %arg11[%swap3A_41] {strides = array<i32>} : memref<80xi32, #tpu.memory_space<vmem>>, vector<16xi32>,
    tpu.vector_store %arg11[%swap3A_41], %add3A_40 {strides = array<i32>} : memref<80xi32, #tpu.memory_space<vmem>>, vector<16xi32>,
    %get3A_43 = arith.constant 32 : index
    %get3A_44 = tpu.vector_load %arg9[%get3A_43] {strides = array<i32>} : memref<80xi32, #tpu.memory_space<vmem>>, vector<16xi32>,
    %add3A_45 = arith.addi %get3A_44, %broadcast_in_dim3A : vector<16xi32>
    %swap3A_46 = arith.constant 32 : index
    %swap3A_47 = tpu.vector_load %arg13[%swap3A_46] {strides = array<i32>} : memref<80xi32, #tpu.memory_space<vmem>>, vector<16xi32>,
    tpu.vector_store %arg13[%swap3A_46], %add3A_45 {strides = array<i32>} : memref<80xi32, #tpu.memory_space<vmem>>, vector<16xi32>,
    %get3A_48 = arith.constant 32 : index
    %get3A_49 = tpu.vector_load %arg11[%get3A_48] {strides = array<i32>} : memref<80xi32, #tpu.memory_space<vmem>>, vector<16xi32>,
    %add3A_50 = arith.addi %get3A_49, %broadcast_in_dim3A : vector<16xi32>
    %swap3A_51 = arith.constant 32 : index
    %swap3A_52 = tpu.vector_load %arg11[%swap3A_51] {strides = array<i32>} : memref<80xi32, #tpu.memory_space<vmem>>, vector<16xi32>,
    tpu.vector_store %arg11[%swap3A_51], %add3A_50 {strides = array<i32>} : memref<80xi32, #tpu.memory_space<vmem>>, vector<16xi32>,
    %get3A_53 = arith.constant 48 : index
    %get3A_54 = tpu.vector_load %arg9[%get3A_53] {strides = array<i32>} : memref<80xi32, #tpu.memory_space<vmem>>, vector<16xi32>,
    %add3A_55 = arith.addi %get3A_54, %broadcast_in_dim3A : vector<16xi32>
    %swap3A_56 = arith.constant 48 : index
    %swap3A_57 = tpu.vector_load %arg13[%swap3A_56] {strides = array<i32>} : memref<80xi32, #tpu.memory_space<vmem>>, vector<16xi32>,
    tpu.vector_store %arg13[%swap3A_56], %add3A_55 {strides = array<i32>} : memref<80xi32, #tpu.memory_space<vmem>>, vector<16xi32>,
    %get3A_58 = arith.constant 48 : index
    %get3A_59 = tpu.vector_load %arg11[%get3A_58] {strides = array<i32>} : memref<80xi32, #tpu.memory_space<vmem>>, vector<16xi32>,
    %add3A_60 = arith.addi %get3A_59, %broadcast_in_dim3A : vector<16xi32>
    %swap3A_61 = arith.constant 48 : index
    %swap3A_62 = tpu.vector_load %arg11[%swap3A_61] {strides = array<i32>} : memref<80xi32, #tpu.memory_space<vmem>>, vector<16xi32>,
    tpu.vector_store %arg11[%swap3A_61], %add3A_60 {strides = array<i32>} : memref<80xi32, #tpu.memory_space<vmem>>, vector<16xi32>,
    %get3A_63 = arith.constant 64 : index
    %get3A_64 = tpu.vector_load %arg9[%get3A_63] {strides = array<i32>} : memref<80xi32, #tpu.memory_space<vmem>>, vector<16xi32>,
    %add3A_65 = arith.addi %get3A_64, %broadcast_in_dim3A : vector<16xi32>
    %swap3A_66 = arith.constant 64 : index
    %swap3A_67 = tpu.vector_load %arg13[%swap3A_66] {strides = array<i32>} : memref<80xi32, #tpu.memory_space<vmem>>, vector<16xi32>,
    tpu.vector_store %arg13[%swap3A_66], %add3A_65 {strides = array<i32>} : memref<80xi32, #tpu.memory_space<vmem>>, vector<16xi32>,
    %get3A_68 = arith.constant 64 : index
    %get3A_69 = tpu.vector_load %arg11[%get3A_68] {strides = array<i32>} : memref<80xi32, #tpu.memory_space<vmem>>, vector<16xi32>,
    %add3A_70 = arith.addi %get3A_69, %broadcast_in_dim3A : vector<16xi32>
    %swap3A_71 = arith.constant 64 : index
    %swap3A_72 = tpu.vector_load %arg11[%swap3A_71] {strides = array<i32>} : memref<80xi32, #tpu.memory_space<vmem>>, vector<16xi32>,
    tpu.vector_store %arg11[%swap3A_71], %add3A_70 {strides = array<i32>} : memref<80xi32, #tpu.memory_space<vmem>>, vector<16xi32>,
    %dma_start3A_73 = arith.constant 0 : i32
    %dma_start3A_74 = arith.constant 0 : i32
    %dma_start3A_75 = tpu.memref_slice %arg2[%dma_start3A_73, %dma_start3A_74] : memref<20000x128xf32, #tpu.memory_space<hbm>> -> memref<20000x128xf32, #tpu.memory_space<hbm>>
    tpu.enqueue_indirect_dma source(%dma_start3A_75 : memref<20000x128xf32, #tpu.memory_space<hbm>>) target(%arg15 : memref<80x128xf32, #tpu.memory_space<vmem>>) offsets(%arg13 : memref<80xi32, #tpu.memory_space<vmem>>) semaphore(%arg25 : memref<!tpu.dma_semaphore, #tpu.memory_space<semaphore_mem>>)
    %dma_start3A_76 = arith.constant 0 : i32
    %dma_start3A_77 = arith.constant 0 : i32
    %dma_start3A_78 = tpu.memref_slice %arg3[%dma_start3A_76, %dma_start3A_77] : memref<20000x128xf32, #tpu.memory_space<hbm>> -> memref<20000x128xf32, #tpu.memory_space<hbm>>
    tpu.enqueue_indirect_dma source(%dma_start3A_78 : memref<20000x128xf32, #tpu.memory_space<hbm>>) target(%arg17 : memref<80x128xf32, #tpu.memory_space<vmem>>) offsets(%arg11 : memref<80xi32, #tpu.memory_space<vmem>>) semaphore(%arg27 : memref<!tpu.dma_semaphore, #tpu.memory_space<semaphore_mem>>)
    %add3A_79 = arith.constant 80 : i32
    %add3A_80 = arith.addi %mul3A_4, %add3A_79 : i32
    %multiple_of3A_81 = tpu.assume_multiple %add3A_80, 8 : i32
    %dma_start3A_82 = tpu.memref_slice %arg4[%multiple_of3A_81] : memref<320000xi32, #tpu.memory_space<hbm>> -> memref<80xi32, #tpu.memory_space<hbm>>
    %dma_start3A_83 = tpu.memref_slice %arg4[%multiple_of3A_81] : memref<320000xi32, #tpu.memory_space<hbm>> -> memref<80xi32, #tpu.memory_space<hbm>>
    tpu.enqueue_dma source(%dma_start3A_83 : memref<80xi32, #tpu.memory_space<hbm>>) target(%arg10 : memref<80xi32, #tpu.memory_space<vmem>>) target_semaphore(%arg24 : memref<!tpu.dma_semaphore, #tpu.memory_space<semaphore_mem>>)
    %dma_start3A_84 = tpu.memref_slice %arg5[%multiple_of3A_81] : memref<320000xi32, #tpu.memory_space<hbm>> -> memref<80xi32, #tpu.memory_space<hbm>>
    %dma_start3A_85 = tpu.memref_slice %arg5[%multiple_of3A_81] : memref<320000xi32, #tpu.memory_space<hbm>> -> memref<80xi32, #tpu.memory_space<hbm>>
    tpu.enqueue_dma source(%dma_start3A_85 : memref<80xi32, #tpu.memory_space<hbm>>) target(%arg12 : memref<80xi32, #tpu.memory_space<vmem>>) target_semaphore(%arg24 : memref<!tpu.dma_semaphore, #tpu.memory_space<semaphore_mem>>)
    %dma_start3A_86 = arith.constant 0 : i32
    %dma_start3A_87 = tpu.memref_slice %arg6[%multiple_of3A_81, %dma_start3A_86] : memref<320000x16xf32, #tpu.memory_space<hbm>> -> memref<80x16xf32, #tpu.memory_space<hbm>>
    %dma_start3A_88 = arith.constant 0 : i32
    %dma_start3A_89 = tpu.memref_slice %arg6[%multiple_of3A_81, %dma_start3A_88] : memref<320000x16xf32, #tpu.memory_space<hbm>> -> memref<80x16xf32, #tpu.memory_space<hbm>>
    tpu.enqueue_dma source(%dma_start3A_89 : memref<80x16xf32, #tpu.memory_space<hbm>>) target(%arg20 : memref<80x16xf32, #tpu.memory_space<vmem>>) target_semaphore(%arg24 : memref<!tpu.dma_semaphore, #tpu.memory_space<semaphore_mem>>)
    %scan3A_90 = arith.constant 0 : i32
    %scan3A_91 = arith.constant 125 : i32
    %scan3A_92 = arith.addi %scan3A_90, %scan3A_91 : i32
    %scan3A_93 = arith.constant 1 : i32
    scf.for %scan3A_101 = %scan3A_90 to %scan3A_92 step %scan3A_93  : i32 {
      %mul3A_102 = arith.constant 1 : i32
      %mul3A_103 = arith.muli %scan3A_101, %mul3A_102 : i32
      %add3A_104 = arith.constant 0 : i32
      %add3A_105 = arith.addi %add3A_104, %mul3A_103 : i32
      %mul3A_106 = arith.constant 2 : i32
      %mul3A_107 = arith.muli %mul3A_106, %add3A_105 : i32
      %add3A_108 = arith.constant 0 : i32
      %add3A_109 = arith.addi %mul3A_107, %add3A_108 : i32
      %add3A_110 = arith.constant 1 : i32
      %add3A_111 = arith.addi %add3A_109, %add3A_110 : i32
      %lt3A = arith.constant 250 : i32
      %lt3A_112 = arith.cmpi slt, %add3A_111, %lt3A : i32
      %convert_element_type3A = arith.extui %lt3A_112 : i1 to i32
      %cond3A = arith.constant 0 : i32
      %cond3A_113 = arith.cmpi ne, %convert_element_type3A, %cond3A : i32
      scf.if %cond3A_113 {
        %add3A_337 = arith.constant 1 : i32
        %add3A_338 = arith.addi %add3A_109, %add3A_337 : i32
        %mul3A_339 = arith.constant 80 : i32
        %mul3A_340 = arith.muli %add3A_338, %mul3A_339 : i32
        %add3A_341 = arith.addi %mul3A_4, %mul3A_340 : i32
        %multiple_of3A_342 = tpu.assume_multiple %add3A_341, 8 : i32
        %dma_wait3A_343 = tpu.memref_slice %arg4[%multiple_of3A_342] : memref<320000xi32, #tpu.memory_space<hbm>> -> memref<80xi32, #tpu.memory_space<hbm>>
        %dma_wait3A_344 = tpu.memref_slice %arg4[%multiple_of3A_342] : memref<320000xi32, #tpu.memory_space<hbm>> -> memref<80xi32, #tpu.memory_space<hbm>>
        tpu.wait_dma2 semaphore(%arg24 : memref<!tpu.dma_semaphore, #tpu.memory_space<semaphore_mem>>) src(%dma_wait3A_344 : memref<80xi32, #tpu.memory_space<hbm>>) dst(%arg10 : memref<80xi32, #tpu.memory_space<vmem>>)
        %dma_wait3A_345 = tpu.memref_slice %arg5[%multiple_of3A_342] : memref<320000xi32, #tpu.memory_space<hbm>> -> memref<80xi32, #tpu.memory_space<hbm>>
        %dma_wait3A_346 = tpu.memref_slice %arg5[%multiple_of3A_342] : memref<320000xi32, #tpu.memory_space<hbm>> -> memref<80xi32, #tpu.memory_space<hbm>>
        tpu.wait_dma2 semaphore(%arg24 : memref<!tpu.dma_semaphore, #tpu.memory_space<semaphore_mem>>) src(%dma_wait3A_346 : memref<80xi32, #tpu.memory_space<hbm>>) dst(%arg12 : memref<80xi32, #tpu.memory_space<vmem>>)
        %dma_wait3A_347 = arith.constant 0 : i32
        %dma_wait3A_348 = tpu.memref_slice %arg6[%multiple_of3A_342, %dma_wait3A_347] : memref<320000x16xf32, #tpu.memory_space<hbm>> -> memref<80x16xf32, #tpu.memory_space<hbm>>
        %dma_wait3A_349 = arith.constant 0 : i32
        %dma_wait3A_350 = tpu.memref_slice %arg6[%multiple_of3A_342, %dma_wait3A_349] : memref<320000x16xf32, #tpu.memory_space<hbm>> -> memref<80x16xf32, #tpu.memory_space<hbm>>
        tpu.wait_dma2 semaphore(%arg24 : memref<!tpu.dma_semaphore, #tpu.memory_space<semaphore_mem>>) src(%dma_wait3A_350 : memref<80x16xf32, #tpu.memory_space<hbm>>) dst(%arg20 : memref<80x16xf32, #tpu.memory_space<vmem>>)
        %get3A_351 = arith.constant 0 : index
        %get3A_352 = tpu.vector_load %arg10[%get3A_351] {strides = array<i32>} : memref<80xi32, #tpu.memory_space<vmem>>, vector<16xi32>,
        %add3A_353 = arith.addi %get3A_352, %broadcast_in_dim3A : vector<16xi32>
        %swap3A_354 = arith.constant 0 : index
        %swap3A_355 = tpu.vector_load %arg14[%swap3A_354] {strides = array<i32>} : memref<80xi32, #tpu.memory_space<vmem>>, vector<16xi32>,
        tpu.vector_store %arg14[%swap3A_354], %add3A_353 {strides = array<i32>} : memref<80xi32, #tpu.memory_space<vmem>>, vector<16xi32>,
        %get3A_356 = arith.constant 0 : index
        %get3A_357 = tpu.vector_load %arg12[%get3A_356] {strides = array<i32>} : memref<80xi32, #tpu.memory_space<vmem>>, vector<16xi32>,
        %add3A_358 = arith.addi %get3A_357, %broadcast_in_dim3A : vector<16xi32>
        %swap3A_359 = arith.constant 0 : index
        %swap3A_360 = tpu.vector_load %arg12[%swap3A_359] {strides = array<i32>} : memref<80xi32, #tpu.memory_space<vmem>>, vector<16xi32>,
        tpu.vector_store %arg12[%swap3A_359], %add3A_358 {strides = array<i32>} : memref<80xi32, #tpu.memory_space<vmem>>, vector<16xi32>,
        %get3A_361 = arith.constant 16 : index
        %get3A_362 = tpu.vector_load %arg10[%get3A_361] {strides = array<i32>} : memref<80xi32, #tpu.memory_space<vmem>>, vector<16xi32>,
        %add3A_363 = arith.addi %get3A_362, %broadcast_in_dim3A : vector<16xi32>
        %swap3A_364 = arith.constant 16 : index
        %swap3A_365 = tpu.vector_load %arg14[%swap3A_364] {strides = array<i32>} : memref<80xi32, #tpu.memory_space<vmem>>, vector<16xi32>,
        tpu.vector_store %arg14[%swap3A_364], %add3A_363 {strides = array<i32>} : memref<80xi32, #tpu.memory_space<vmem>>, vector<16xi32>,
        %get3A_366 = arith.constant 16 : index
        %get3A_367 = tpu.vector_load %arg12[%get3A_366] {strides = array<i32>} : memref<80xi32, #tpu.memory_space<vmem>>, vector<16xi32>,
        %add3A_368 = arith.addi %get3A_367, %broadcast_in_dim3A : vector<16xi32>
        %swap3A_369 = arith.constant 16 : index
        %swap3A_370 = tpu.vector_load %arg12[%swap3A_369] {strides = array<i32>} : memref<80xi32, #tpu.memory_space<vmem>>, vector<16xi32>,
        tpu.vector_store %arg12[%swap3A_369], %add3A_368 {strides = array<i32>} : memref<80xi32, #tpu.memory_space<vmem>>, vector<16xi32>,
        %get3A_371 = arith.constant 32 : index
        %get3A_372 = tpu.vector_load %arg10[%get3A_371] {strides = array<i32>} : memref<80xi32, #tpu.memory_space<vmem>>, vector<16xi32>,
        %add3A_373 = arith.addi %get3A_372, %broadcast_in_dim3A : vector<16xi32>
        %swap3A_374 = arith.constant 32 : index
        %swap3A_375 = tpu.vector_load %arg14[%swap3A_374] {strides = array<i32>} : memref<80xi32, #tpu.memory_space<vmem>>, vector<16xi32>,
        tpu.vector_store %arg14[%swap3A_374], %add3A_373 {strides = array<i32>} : memref<80xi32, #tpu.memory_space<vmem>>, vector<16xi32>,
        %get3A_376 = arith.constant 32 : index
        %get3A_377 = tpu.vector_load %arg12[%get3A_376] {strides = array<i32>} : memref<80xi32, #tpu.memory_space<vmem>>, vector<16xi32>,
        %add3A_378 = arith.addi %get3A_377, %broadcast_in_dim3A : vector<16xi32>
        %swap3A_379 = arith.constant 32 : index
        %swap3A_380 = tpu.vector_load %arg12[%swap3A_379] {strides = array<i32>} : memref<80xi32, #tpu.memory_space<vmem>>, vector<16xi32>,
        tpu.vector_store %arg12[%swap3A_379], %add3A_378 {strides = array<i32>} : memref<80xi32, #tpu.memory_space<vmem>>, vector<16xi32>,
        %get3A_381 = arith.constant 48 : index
        %get3A_382 = tpu.vector_load %arg10[%get3A_381] {strides = array<i32>} : memref<80xi32, #tpu.memory_space<vmem>>, vector<16xi32>,
        %add3A_383 = arith.addi %get3A_382, %broadcast_in_dim3A : vector<16xi32>
        %swap3A_384 = arith.constant 48 : index
        %swap3A_385 = tpu.vector_load %arg14[%swap3A_384] {strides = array<i32>} : memref<80xi32, #tpu.memory_space<vmem>>, vector<16xi32>,
        tpu.vector_store %arg14[%swap3A_384], %add3A_383 {strides = array<i32>} : memref<80xi32, #tpu.memory_space<vmem>>, vector<16xi32>,
        %get3A_386 = arith.constant 48 : index
        %get3A_387 = tpu.vector_load %arg12[%get3A_386] {strides = array<i32>} : memref<80xi32, #tpu.memory_space<vmem>>, vector<16xi32>,
        %add3A_388 = arith.addi %get3A_387, %broadcast_in_dim3A : vector<16xi32>
        %swap3A_389 = arith.constant 48 : index
        %swap3A_390 = tpu.vector_load %arg12[%swap3A_389] {strides = array<i32>} : memref<80xi32, #tpu.memory_space<vmem>>, vector<16xi32>,
        tpu.vector_store %arg12[%swap3A_389], %add3A_388 {strides = array<i32>} : memref<80xi32, #tpu.memory_space<vmem>>, vector<16xi32>,
        %get3A_391 = arith.constant 64 : index
        %get3A_392 = tpu.vector_load %arg10[%get3A_391] {strides = array<i32>} : memref<80xi32, #tpu.memory_space<vmem>>, vector<16xi32>,
        %add3A_393 = arith.addi %get3A_392, %broadcast_in_dim3A : vector<16xi32>
        %swap3A_394 = arith.constant 64 : index
        %swap3A_395 = tpu.vector_load %arg14[%swap3A_394] {strides = array<i32>} : memref<80xi32, #tpu.memory_space<vmem>>, vector<16xi32>,
        tpu.vector_store %arg14[%swap3A_394], %add3A_393 {strides = array<i32>} : memref<80xi32, #tpu.memory_space<vmem>>, vector<16xi32>,
        %get3A_396 = arith.constant 64 : index
        %get3A_397 = tpu.vector_load %arg12[%get3A_396] {strides = array<i32>} : memref<80xi32, #tpu.memory_space<vmem>>, vector<16xi32>,
        %add3A_398 = arith.addi %get3A_397, %broadcast_in_dim3A : vector<16xi32>
        %swap3A_399 = arith.constant 64 : index
        %swap3A_400 = tpu.vector_load %arg12[%swap3A_399] {strides = array<i32>} : memref<80xi32, #tpu.memory_space<vmem>>, vector<16xi32>,
        tpu.vector_store %arg12[%swap3A_399], %add3A_398 {strides = array<i32>} : memref<80xi32, #tpu.memory_space<vmem>>, vector<16xi32>,
        %dma_start3A_401 = arith.constant 0 : i32
        %dma_start3A_402 = arith.constant 0 : i32
        %dma_start3A_403 = tpu.memref_slice %arg2[%dma_start3A_401, %dma_start3A_402] : memref<20000x128xf32, #tpu.memory_space<hbm>> -> memref<20000x128xf32, #tpu.memory_space<hbm>>
        tpu.enqueue_indirect_dma source(%dma_start3A_403 : memref<20000x128xf32, #tpu.memory_space<hbm>>) target(%arg16 : memref<80x128xf32, #tpu.memory_space<vmem>>) offsets(%arg14 : memref<80xi32, #tpu.memory_space<vmem>>) semaphore(%arg26 : memref<!tpu.dma_semaphore, #tpu.memory_space<semaphore_mem>>)
        %dma_start3A_404 = arith.constant 0 : i32
        %dma_start3A_405 = arith.constant 0 : i32
        %dma_start3A_406 = tpu.memref_slice %arg3[%dma_start3A_404, %dma_start3A_405] : memref<20000x128xf32, #tpu.memory_space<hbm>> -> memref<20000x128xf32, #tpu.memory_space<hbm>>
        tpu.enqueue_indirect_dma source(%dma_start3A_406 : memref<20000x128xf32, #tpu.memory_space<hbm>>) target(%arg18 : memref<80x128xf32, #tpu.memory_space<vmem>>) offsets(%arg12 : memref<80xi32, #tpu.memory_space<vmem>>) semaphore(%arg28 : memref<!tpu.dma_semaphore, #tpu.memory_space<semaphore_mem>>)
      } else {
      }
      %dma_wait3A_114 = arith.constant 0 : i32
      %dma_wait3A_115 = arith.constant 0 : i32
      %dma_wait3A_116 = tpu.memref_slice %arg2[%dma_wait3A_114, %dma_wait3A_115] : memref<20000x128xf32, #tpu.memory_space<hbm>> -> memref<20000x128xf32, #tpu.memory_space<hbm>>
      tpu.wait_indirect_dma semaphore(%arg25 : memref<!tpu.dma_semaphore, #tpu.memory_space<semaphore_mem>>) src(%dma_wait3A_116 : memref<20000x128xf32, #tpu.memory_space<hbm>>) dst(%arg15 : memref<80x128xf32, #tpu.memory_space<vmem>>)
      %dma_wait3A_117 = arith.constant 0 : i32
      %dma_wait3A_118 = arith.constant 0 : i32
      %dma_wait3A_119 = tpu.memref_slice %arg3[%dma_wait3A_117, %dma_wait3A_118] : memref<20000x128xf32, #tpu.memory_space<hbm>> -> memref<20000x128xf32, #tpu.memory_space<hbm>>
      tpu.wait_indirect_dma semaphore(%arg27 : memref<!tpu.dma_semaphore, #tpu.memory_space<semaphore_mem>>) src(%dma_wait3A_119 : memref<20000x128xf32, #tpu.memory_space<hbm>>) dst(%arg17 : memref<80x128xf32, #tpu.memory_space<vmem>>)
      %get3A_120 = arith.constant 0 : i32
      %get3A_121 = arith.index_cast %get3A_120 : i32 to index
      %get3A_122 = arith.constant 0 : index
      %get3A_123 = tpu.vector_load %arg19[%get3A_121, %get3A_122] {strides = array<i32>} : memref<80x16xf32, #tpu.memory_space<vmem>>, vector<16xf32>,
      %get3A_124 = arith.constant 0 : i32
      %get3A_125 = arith.index_cast %get3A_124 : i32 to index
      %get3A_126 = arith.constant 0 : index
      %get3A_127 = tpu.vector_load %arg15[%get3A_125, %get3A_126] {strides = array<i32>} : memref<80x128xf32, #tpu.memory_space<vmem>>, vector<16xf32>,
      %get3A_128 = arith.constant 0 : i32
      %get3A_129 = arith.index_cast %get3A_128 : i32 to index
      %get3A_130 = arith.constant 64 : index
      %get3A_131 = tpu.vector_load %arg15[%get3A_129, %get3A_130] {strides = array<i32>} : memref<80x128xf32, #tpu.memory_space<vmem>>, vector<16xf32>,
      %get3A_132 = arith.constant 0 : i32
      %get3A_133 = arith.index_cast %get3A_132 : i32 to index
      %get3A_134 = arith.constant 0 : index
      %get3A_135 = tpu.vector_load %arg17[%get3A_133, %get3A_134] {strides = array<i32>} : memref<80x128xf32, #tpu.memory_space<vmem>>, vector<16xf32>,
      %mul3A_136 = arith.mulf %get3A_127, %get3A_135 : vector<16xf32>
      %mul3A_137 = arith.mulf %get3A_131, %get3A_123 : vector<16xf32>
      %add3A_138 = arith.addf %mul3A_136, %mul3A_137 : vector<16xf32>
      %reduce_sum3A = arith.constant true
      %reduce_sum3A_139 = vector.broadcast %reduce_sum3A : i1 to vector<16xi1>
      %reduce_sum3A_140 = tpu.scan <sum>, %add3A_138 masked %reduce_sum3A_139 : vector<16xf32>, vector<16xi1> -> vector<16xf32>
      %reduce_sum3A_141 = vector.extract %reduce_sum3A_140[15] : f32 from vector<16xf32>
      %broadcast_in_dim3A_142 = vector.broadcast %reduce_sum3A_141 : f32 to vector<16xf32>
      %exp3A = math.exp %broadcast_in_dim3A_142 : vector<16xf32>
      %get3A_143 = arith.constant 0 : i32
      %get3A_144 = arith.index_cast %get3A_143 : i32 to index
      %get3A_145 = arith.constant 16 : index
      %get3A_146 = tpu.vector_load %arg15[%get3A_144, %get3A_145] {strides = array<i32>} : memref<80x128xf32, #tpu.memory_space<vmem>>, vector<16xf32>,
      %get3A_147 = arith.constant 0 : i32
      %get3A_148 = arith.index_cast %get3A_147 : i32 to index
      %get3A_149 = arith.constant 80 : index
      %get3A_150 = tpu.vector_load %arg15[%get3A_148, %get3A_149] {strides = array<i32>} : memref<80x128xf32, #tpu.memory_space<vmem>>, vector<16xf32>,
      %get3A_151 = arith.constant 0 : i32
      %get3A_152 = arith.index_cast %get3A_151 : i32 to index
      %get3A_153 = arith.constant 16 : index
      %get3A_154 = tpu.vector_load %arg17[%get3A_152, %get3A_153] {strides = array<i32>} : memref<80x128xf32, #tpu.memory_space<vmem>>, vector<16xf32>,
      %mul3A_155 = arith.mulf %get3A_146, %get3A_154 : vector<16xf32>
      %mul3A_156 = arith.mulf %get3A_150, %get3A_123 : vector<16xf32>
      %add3A_157 = arith.addf %mul3A_155, %mul3A_156 : vector<16xf32>
      %reduce_sum3A_158 = arith.constant true
      %reduce_sum3A_159 = vector.broadcast %reduce_sum3A_158 : i1 to vector<16xi1>
      %reduce_sum3A_160 = tpu.scan <sum>, %add3A_157 masked %reduce_sum3A_159 : vector<16xf32>, vector<16xi1> -> vector<16xf32>
      %reduce_sum3A_161 = vector.extract %reduce_sum3A_160[15] : f32 from vector<16xf32>
      %broadcast_in_dim3A_162 = vector.broadcast %reduce_sum3A_161 : f32 to vector<16xf32>
      %exp3A_163 = math.exp %broadcast_in_dim3A_162 : vector<16xf32>
      %get3A_164 = arith.constant 0 : i32
      %get3A_165 = arith.index_cast %get3A_164 : i32 to index
      %get3A_166 = arith.constant 32 : index
      %get3A_167 = tpu.vector_load %arg15[%get3A_165, %get3A_166] {strides = array<i32>} : memref<80x128xf32, #tpu.memory_space<vmem>>, vector<16xf32>,
      %get3A_168 = arith.constant 0 : i32
      %get3A_169 = arith.index_cast %get3A_168 : i32 to index
      %get3A_170 = arith.constant 96 : index
      %get3A_171 = tpu.vector_load %arg15[%get3A_169, %get3A_170] {strides = array<i32>} : memref<80x128xf32, #tpu.memory_space<vmem>>, vector<16xf32>,
      %get3A_172 = arith.constant 0 : i32
      %get3A_173 = arith.index_cast %get3A_172 : i32 to index
      %get3A_174 = arith.constant 32 : index
      %get3A_175 = tpu.vector_load %arg17[%get3A_173, %get3A_174] {strides = array<i32>} : memref<80x128xf32, #tpu.memory_space<vmem>>, vector<16xf32>,
      %mul3A_176 = arith.mulf %get3A_167, %get3A_175 : vector<16xf32>
      %mul3A_177 = arith.mulf %get3A_171, %get3A_123 : vector<16xf32>
      %add3A_178 = arith.addf %mul3A_176, %mul3A_177 : vector<16xf32>
      %reduce_sum3A_179 = arith.constant true
      %reduce_sum3A_180 = vector.broadcast %reduce_sum3A_179 : i1 to vector<16xi1>
      %reduce_sum3A_181 = tpu.scan <sum>, %add3A_178 masked %reduce_sum3A_180 : vector<16xf32>, vector<16xi1> -> vector<16xf32>
      %reduce_sum3A_182 = vector.extract %reduce_sum3A_181[15] : f32 from vector<16xf32>
      %broadcast_in_dim3A_183 = vector.broadcast %reduce_sum3A_182 : f32 to vector<16xf32>
      %exp3A_184 = math.exp %broadcast_in_dim3A_183 : vector<16xf32>
      %get3A_185 = arith.constant 0 : i32
      %get3A_186 = arith.index_cast %get3A_185 : i32 to index
      %get3A_187 = arith.constant 48 : index
      %get3A_188 = tpu.vector_load %arg15[%get3A_186, %get3A_187] {strides = array<i32>} : memref<80x128xf32, #tpu.memory_space<vmem>>, vector<16xf32>,
      %get3A_189 = arith.constant 0 : i32
      %get3A_190 = arith.index_cast %get3A_189 : i32 to index
      %get3A_191 = arith.constant 112 : index
      %get3A_192 = tpu.vector_load %arg15[%get3A_190, %get3A_191] {strides = array<i32>} : memref<80x128xf32, #tpu.memory_space<vmem>>, vector<16xf32>,
      %get3A_193 = arith.constant 0 : i32
      %get3A_194 = arith.index_cast %get3A_193 : i32 to index
      %get3A_195 = arith.constant 48 : index
      %get3A_196 = tpu.vector_load %arg17[%get3A_194, %get3A_195] {strides = array<i32>} : memref<80x128xf32, #tpu.memory_space<vmem>>, vector<16xf32>,
      %mul3A_197 = arith.mulf %get3A_188, %get3A_196 : vector<16xf32>
      %mul3A_198 = arith.mulf %get3A_192, %get3A_123 : vector<16xf32>
      %add3A_199 = arith.addf %mul3A_197, %mul3A_198 : vector<16xf32>
      %reduce_sum3A_200 = arith.constant true
      %reduce_sum3A_201 = vector.broadcast %reduce_sum3A_200 : i1 to vector<16xi1>
      %reduce_sum3A_202 = tpu.scan <sum>, %add3A_199 masked %reduce_sum3A_201 : vector<16xf32>, vector<16xi1> -> vector<16xf32>
      %reduce_sum3A_203 = vector.extract %reduce_sum3A_202[15] : f32 from vector<16xf32>
      %broadcast_in_dim3A_204 = vector.broadcast %reduce_sum3A_203 : f32 to vector<16xf32>
      %exp3A_205 = math.exp %broadcast_in_dim3A_204 : vector<16xf32>
      %scan3A_206 = arith.constant 0 : i32
      %scan3A_207 = arith.constant 80 : i32
      %scan3A_208 = arith.addi %scan3A_206, %scan3A_207 : i32
      %scan3A_209 = arith.constant 1 : i32
      %scan3A_210:4 = scf.for %scan3A_337 = %scan3A_206 to %scan3A_208 step %scan3A_209 iter_args(%scan3A_338 = %exp3A, %scan3A_339 = %exp3A_163, %scan3A_340 = %exp3A_184, %scan3A_341 = %exp3A_205) -> (vector<16xf32>, vector<16xf32>, vector<16xf32>, vector<16xf32>)  : i32 {
        %add3A_342 = arith.constant 1 : i32
        %add3A_343 = arith.addi %scan3A_337, %add3A_342 : i32
        %min3A = arith.constant 79 : i32
        %min3A_344 = arith.minsi %add3A_343, %min3A : i32
        %get3A_345 = arith.index_cast %min3A_344 : i32 to index
        %get3A_346 = arith.constant 0 : index
        %get3A_347 = tpu.vector_load %arg19[%get3A_345, %get3A_346] {strides = array<i32>} : memref<80x16xf32, #tpu.memory_space<vmem>>, vector<16xf32>,
        %get3A_348 = arith.index_cast %min3A_344 : i32 to index
        %get3A_349 = arith.constant 0 : index
        %get3A_350 = tpu.vector_load %arg15[%get3A_348, %get3A_349] {strides = array<i32>} : memref<80x128xf32, #tpu.memory_space<vmem>>, vector<16xf32>,
        %get3A_351 = arith.index_cast %min3A_344 : i32 to index
        %get3A_352 = arith.constant 64 : index
        %get3A_353 = tpu.vector_load %arg15[%get3A_351, %get3A_352] {strides = array<i32>} : memref<80x128xf32, #tpu.memory_space<vmem>>, vector<16xf32>,
        %get3A_354 = arith.index_cast %min3A_344 : i32 to index
        %get3A_355 = arith.constant 0 : index
        %get3A_356 = tpu.vector_load %arg17[%get3A_354, %get3A_355] {strides = array<i32>} : memref<80x128xf32, #tpu.memory_space<vmem>>, vector<16xf32>,
        %mul3A_357 = arith.mulf %get3A_350, %get3A_356 : vector<16xf32>
        %mul3A_358 = arith.mulf %get3A_353, %get3A_347 : vector<16xf32>
        %add3A_359 = arith.addf %mul3A_357, %mul3A_358 : vector<16xf32>
        %reduce_sum3A_360 = arith.constant true
        %reduce_sum3A_361 = vector.broadcast %reduce_sum3A_360 : i1 to vector<16xi1>
        %reduce_sum3A_362 = tpu.scan <sum>, %add3A_359 masked %reduce_sum3A_361 : vector<16xf32>, vector<16xi1> -> vector<16xf32>
        %reduce_sum3A_363 = vector.extract %reduce_sum3A_362[15] : f32 from vector<16xf32>
        %broadcast_in_dim3A_364 = vector.broadcast %reduce_sum3A_363 : f32 to vector<16xf32>
        %exp3A_365 = math.exp %broadcast_in_dim3A_364 : vector<16xf32>
        %get3A_366 = arith.index_cast %min3A_344 : i32 to index
        %get3A_367 = arith.constant 16 : index
        %get3A_368 = tpu.vector_load %arg15[%get3A_366, %get3A_367] {strides = array<i32>} : memref<80x128xf32, #tpu.memory_space<vmem>>, vector<16xf32>,
        %get3A_369 = arith.index_cast %min3A_344 : i32 to index
        %get3A_370 = arith.constant 80 : index
        %get3A_371 = tpu.vector_load %arg15[%get3A_369, %get3A_370] {strides = array<i32>} : memref<80x128xf32, #tpu.memory_space<vmem>>, vector<16xf32>,
        %get3A_372 = arith.index_cast %min3A_344 : i32 to index
        %get3A_373 = arith.constant 16 : index
        %get3A_374 = tpu.vector_load %arg17[%get3A_372, %get3A_373] {strides = array<i32>} : memref<80x128xf32, #tpu.memory_space<vmem>>, vector<16xf32>,
        %mul3A_375 = arith.mulf %get3A_368, %get3A_374 : vector<16xf32>
        %mul3A_376 = arith.mulf %get3A_371, %get3A_347 : vector<16xf32>
        %add3A_377 = arith.addf %mul3A_375, %mul3A_376 : vector<16xf32>
        %reduce_sum3A_378 = arith.constant true
        %reduce_sum3A_379 = vector.broadcast %reduce_sum3A_378 : i1 to vector<16xi1>
        %reduce_sum3A_380 = tpu.scan <sum>, %add3A_377 masked %reduce_sum3A_379 : vector<16xf32>, vector<16xi1> -> vector<16xf32>
        %reduce_sum3A_381 = vector.extract %reduce_sum3A_380[15] : f32 from vector<16xf32>
        %broadcast_in_dim3A_382 = vector.broadcast %reduce_sum3A_381 : f32 to vector<16xf32>
        %exp3A_383 = math.exp %broadcast_in_dim3A_382 : vector<16xf32>
        %get3A_384 = arith.index_cast %min3A_344 : i32 to index
        %get3A_385 = arith.constant 32 : index
        %get3A_386 = tpu.vector_load %arg15[%get3A_384, %get3A_385] {strides = array<i32>} : memref<80x128xf32, #tpu.memory_space<vmem>>, vector<16xf32>,
        %get3A_387 = arith.index_cast %min3A_344 : i32 to index
        %get3A_388 = arith.constant 96 : index
        %get3A_389 = tpu.vector_load %arg15[%get3A_387, %get3A_388] {strides = array<i32>} : memref<80x128xf32, #tpu.memory_space<vmem>>, vector<16xf32>,
        %get3A_390 = arith.index_cast %min3A_344 : i32 to index
        %get3A_391 = arith.constant 32 : index
        %get3A_392 = tpu.vector_load %arg17[%get3A_390, %get3A_391] {strides = array<i32>} : memref<80x128xf32, #tpu.memory_space<vmem>>, vector<16xf32>,
        %mul3A_393 = arith.mulf %get3A_386, %get3A_392 : vector<16xf32>
        %mul3A_394 = arith.mulf %get3A_389, %get3A_347 : vector<16xf32>
        %add3A_395 = arith.addf %mul3A_393, %mul3A_394 : vector<16xf32>
        %reduce_sum3A_396 = arith.constant true
        %reduce_sum3A_397 = vector.broadcast %reduce_sum3A_396 : i1 to vector<16xi1>
        %reduce_sum3A_398 = tpu.scan <sum>, %add3A_395 masked %reduce_sum3A_397 : vector<16xf32>, vector<16xi1> -> vector<16xf32>
        %reduce_sum3A_399 = vector.extract %reduce_sum3A_398[15] : f32 from vector<16xf32>
        %broadcast_in_dim3A_400 = vector.broadcast %reduce_sum3A_399 : f32 to vector<16xf32>
        %exp3A_401 = math.exp %broadcast_in_dim3A_400 : vector<16xf32>
        %get3A_402 = arith.index_cast %min3A_344 : i32 to index
        %get3A_403 = arith.constant 48 : index
        %get3A_404 = tpu.vector_load %arg15[%get3A_402, %get3A_403] {strides = array<i32>} : memref<80x128xf32, #tpu.memory_space<vmem>>, vector<16xf32>,
        %get3A_405 = arith.index_cast %min3A_344 : i32 to index
        %get3A_406 = arith.constant 112 : index
        %get3A_407 = tpu.vector_load %arg15[%get3A_405, %get3A_406] {strides = array<i32>} : memref<80x128xf32, #tpu.memory_space<vmem>>, vector<16xf32>,
        %get3A_408 = arith.index_cast %min3A_344 : i32 to index
        %get3A_409 = arith.constant 48 : index
        %get3A_410 = tpu.vector_load %arg17[%get3A_408, %get3A_409] {strides = array<i32>} : memref<80x128xf32, #tpu.memory_space<vmem>>, vector<16xf32>,
        %mul3A_411 = arith.mulf %get3A_404, %get3A_410 : vector<16xf32>
        %mul3A_412 = arith.mulf %get3A_407, %get3A_347 : vector<16xf32>
        %add3A_413 = arith.addf %mul3A_411, %mul3A_412 : vector<16xf32>
        %reduce_sum3A_414 = arith.constant true
        %reduce_sum3A_415 = vector.broadcast %reduce_sum3A_414 : i1 to vector<16xi1>
        %reduce_sum3A_416 = tpu.scan <sum>, %add3A_413 masked %reduce_sum3A_415 : vector<16xf32>, vector<16xi1> -> vector<16xf32>
        %reduce_sum3A_417 = vector.extract %reduce_sum3A_416[15] : f32 from vector<16xf32>
        %broadcast_in_dim3A_418 = vector.broadcast %reduce_sum3A_417 : f32 to vector<16xf32>
        %exp3A_419 = math.exp %broadcast_in_dim3A_418 : vector<16xf32>
        %broadcast_in_dim3A_420 = arith.constant 0.000000e+00 : f32
        %broadcast_in_dim3A_421 = vector.broadcast %broadcast_in_dim3A_420 : f32 to vector<16xf32>
        %get3A_422 = arith.index_cast %scan3A_337 : i32 to index
        %get3A_423 = arith.constant 64 : index
        %get3A_424 = tpu.vector_load %arg17[%get3A_422, %get3A_423] {strides = array<i32>} : memref<80x128xf32, #tpu.memory_space<vmem>>, vector<16xf32>,
        %mul3A_425 = arith.mulf %scan3A_338, %get3A_424 : vector<16xf32>
        %swap3A_426 = arith.index_cast %scan3A_337 : i32 to index
        %swap3A_427 = arith.constant 0 : index
        %swap3A_428 = tpu.vector_load %arg21[%swap3A_426, %swap3A_427] {strides = array<i32>} : memref<80x80xf32, #tpu.memory_space<vmem>>, vector<16xf32>,
        tpu.vector_store %arg21[%swap3A_426, %swap3A_427], %mul3A_425 {strides = array<i32>} : memref<80x80xf32, #tpu.memory_space<vmem>>, vector<16xf32>,
        %eq3A = arith.constant 0 : i32
        %eq3A_429 = vector.broadcast %eq3A : i32 to vector<16xi32>
        %eq3A_430 = arith.cmpi eq, %iota3A, %eq3A_429 : vector<16xi32>
        %select_n3A = arith.select %eq3A_430, %scan3A_338, %broadcast_in_dim3A_421 : vector<16xi1>, vector<16xf32>
        %get3A_431 = arith.index_cast %scan3A_337 : i32 to index
        %get3A_432 = arith.constant 80 : index
        %get3A_433 = tpu.vector_load %arg17[%get3A_431, %get3A_432] {strides = array<i32>} : memref<80x128xf32, #tpu.memory_space<vmem>>, vector<16xf32>,
        %mul3A_434 = arith.mulf %scan3A_339, %get3A_433 : vector<16xf32>
        %swap3A_435 = arith.index_cast %scan3A_337 : i32 to index
        %swap3A_436 = arith.constant 16 : index
        %swap3A_437 = tpu.vector_load %arg21[%swap3A_435, %swap3A_436] {strides = array<i32>} : memref<80x80xf32, #tpu.memory_space<vmem>>, vector<16xf32>,
        tpu.vector_store %arg21[%swap3A_435, %swap3A_436], %mul3A_434 {strides = array<i32>} : memref<80x80xf32, #tpu.memory_space<vmem>>, vector<16xf32>,
        %eq3A_438 = arith.constant 1 : i32
        %eq3A_439 = vector.broadcast %eq3A_438 : i32 to vector<16xi32>
        %eq3A_440 = arith.cmpi eq, %iota3A, %eq3A_439 : vector<16xi32>
        %select_n3A_441 = arith.select %eq3A_440, %scan3A_339, %select_n3A : vector<16xi1>, vector<16xf32>
        %get3A_442 = arith.index_cast %scan3A_337 : i32 to index
        %get3A_443 = arith.constant 96 : index
        %get3A_444 = tpu.vector_load %arg17[%get3A_442, %get3A_443] {strides = array<i32>} : memref<80x128xf32, #tpu.memory_space<vmem>>, vector<16xf32>,
        %mul3A_445 = arith.mulf %scan3A_340, %get3A_444 : vector<16xf32>
        %swap3A_446 = arith.index_cast %scan3A_337 : i32 to index
        %swap3A_447 = arith.constant 32 : index
        %swap3A_448 = tpu.vector_load %arg21[%swap3A_446, %swap3A_447] {strides = array<i32>} : memref<80x80xf32, #tpu.memory_space<vmem>>, vector<16xf32>,
        tpu.vector_store %arg21[%swap3A_446, %swap3A_447], %mul3A_445 {strides = array<i32>} : memref<80x80xf32, #tpu.memory_space<vmem>>, vector<16xf32>,
        %eq3A_449 = arith.constant 2 : i32
        %eq3A_450 = vector.broadcast %eq3A_449 : i32 to vector<16xi32>
        %eq3A_451 = arith.cmpi eq, %iota3A, %eq3A_450 : vector<16xi32>
        %select_n3A_452 = arith.select %eq3A_451, %scan3A_340, %select_n3A_441 : vector<16xi1>, vector<16xf32>
        %get3A_453 = arith.index_cast %scan3A_337 : i32 to index
        %get3A_454 = arith.constant 112 : index
        %get3A_455 = tpu.vector_load %arg17[%get3A_453, %get3A_454] {strides = array<i32>} : memref<80x128xf32, #tpu.memory_space<vmem>>, vector<16xf32>,
        %mul3A_456 = arith.mulf %scan3A_341, %get3A_455 : vector<16xf32>
        %swap3A_457 = arith.index_cast %scan3A_337 : i32 to index
        %swap3A_458 = arith.constant 48 : index
        %swap3A_459 = tpu.vector_load %arg21[%swap3A_457, %swap3A_458] {strides = array<i32>} : memref<80x80xf32, #tpu.memory_space<vmem>>, vector<16xf32>,
        tpu.vector_store %arg21[%swap3A_457, %swap3A_458], %mul3A_456 {strides = array<i32>} : memref<80x80xf32, #tpu.memory_space<vmem>>, vector<16xf32>,
        %eq3A_460 = arith.constant 3 : i32
        %eq3A_461 = vector.broadcast %eq3A_460 : i32 to vector<16xi32>
        %eq3A_462 = arith.cmpi eq, %iota3A, %eq3A_461 : vector<16xi32>
        %select_n3A_463 = arith.select %eq3A_462, %scan3A_341, %select_n3A_452 : vector<16xi1>, vector<16xf32>
        %swap3A_464 = arith.index_cast %scan3A_337 : i32 to index
        %swap3A_465 = arith.constant 64 : index
        %swap3A_466 = tpu.vector_load %arg21[%swap3A_464, %swap3A_465] {strides = array<i32>} : memref<80x80xf32, #tpu.memory_space<vmem>>, vector<16xf32>,
        tpu.vector_store %arg21[%swap3A_464, %swap3A_465], %select_n3A_463 {strides = array<i32>} : memref<80x80xf32, #tpu.memory_space<vmem>>, vector<16xf32>,
        scf.yield %exp3A_365, %exp3A_383, %exp3A_401, %exp3A_419 : vector<16xf32>, vector<16xf32>, vector<16xf32>, vector<16xf32>
      }
      %scan3A_211 = arith.constant 80 : i32
      "tpu.region"() ({
        %run_scoped3A = tpu.sem_alloc : memref<!tpu.dma_semaphore, #tpu.memory_space<semaphore_mem>>
        %dma_start3A_337 = arith.constant 0 : i32
        %dma_start3A_338 = arith.constant 0 : i32
        %dma_start3A_339 = tpu.memref_slice %arg22[%dma_start3A_337, %dma_start3A_338] : memref<10000x80xf32, #tpu.memory_space<vmem_shared>> -> memref<10000x80xf32, #tpu.memory_space<vmem_shared>>
        tpu.enqueue_indirect_dma source(%arg21 : memref<80x80xf32, #tpu.memory_space<vmem>>) target(%dma_start3A_339 : memref<10000x80xf32, #tpu.memory_space<vmem_shared>>) offsets(%arg9 : memref<80xi32, #tpu.memory_space<vmem>>) semaphore(%run_scoped3A : memref<!tpu.dma_semaphore, #tpu.memory_space<semaphore_mem>>) {add = true}
        %dma_wait3A_340 = arith.constant 0 : i32
        %dma_wait3A_341 = arith.constant 0 : i32
        %dma_wait3A_342 = tpu.memref_slice %arg22[%dma_wait3A_340, %dma_wait3A_341] : memref<10000x80xf32, #tpu.memory_space<vmem_shared>> -> memref<10000x80xf32, #tpu.memory_space<vmem_shared>>
        tpu.wait_indirect_dma semaphore(%run_scoped3A : memref<!tpu.dma_semaphore, #tpu.memory_space<semaphore_mem>>) src(%arg21 : memref<80x80xf32, #tpu.memory_space<vmem>>) dst(%dma_wait3A_342 : memref<10000x80xf32, #tpu.memory_space<vmem_shared>>)
        tpu.yield
      }) : () -> ()
      %add3A_212 = arith.constant 2 : i32
      %add3A_213 = arith.addi %add3A_109, %add3A_212 : i32
      %lt3A_214 = arith.constant 250 : i32
      %lt3A_215 = arith.cmpi slt, %add3A_213, %lt3A_214 : i32
      %convert_element_type3A_216 = arith.extui %lt3A_215 : i1 to i32
      %cond3A_217 = arith.constant 0 : i32
      %cond3A_218 = arith.cmpi ne, %convert_element_type3A_216, %cond3A_217 : i32
      scf.if %cond3A_218 {
        %add3A_337 = arith.constant 2 : i32
        %add3A_338 = arith.addi %add3A_109, %add3A_337 : i32
        %mul3A_339 = arith.constant 80 : i32
        %mul3A_340 = arith.muli %add3A_338, %mul3A_339 : i32
        %add3A_341 = arith.addi %mul3A_4, %mul3A_340 : i32
        %multiple_of3A_342 = tpu.assume_multiple %add3A_341, 8 : i32
        %dma_start3A_343 = tpu.memref_slice %arg4[%multiple_of3A_342] : memref<320000xi32, #tpu.memory_space<hbm>> -> memref<80xi32, #tpu.memory_space<hbm>>
        %dma_start3A_344 = tpu.memref_slice %arg4[%multiple_of3A_342] : memref<320000xi32, #tpu.memory_space<hbm>> -> memref<80xi32, #tpu.memory_space<hbm>>
        tpu.enqueue_dma source(%dma_start3A_344 : memref<80xi32, #tpu.memory_space<hbm>>) target(%arg9 : memref<80xi32, #tpu.memory_space<vmem>>) target_semaphore(%arg23 : memref<!tpu.dma_semaphore, #tpu.memory_space<semaphore_mem>>)
        %dma_start3A_345 = tpu.memref_slice %arg5[%multiple_of3A_342] : memref<320000xi32, #tpu.memory_space<hbm>> -> memref<80xi32, #tpu.memory_space<hbm>>
        %dma_start3A_346 = tpu.memref_slice %arg5[%multiple_of3A_342] : memref<320000xi32, #tpu.memory_space<hbm>> -> memref<80xi32, #tpu.memory_space<hbm>>
        tpu.enqueue_dma source(%dma_start3A_346 : memref<80xi32, #tpu.memory_space<hbm>>) target(%arg11 : memref<80xi32, #tpu.memory_space<vmem>>) target_semaphore(%arg23 : memref<!tpu.dma_semaphore, #tpu.memory_space<semaphore_mem>>)
        %dma_start3A_347 = arith.constant 0 : i32
        %dma_start3A_348 = tpu.memref_slice %arg6[%multiple_of3A_342, %dma_start3A_347] : memref<320000x16xf32, #tpu.memory_space<hbm>> -> memref<80x16xf32, #tpu.memory_space<hbm>>
        %dma_start3A_349 = arith.constant 0 : i32
        %dma_start3A_350 = tpu.memref_slice %arg6[%multiple_of3A_342, %dma_start3A_349] : memref<320000x16xf32, #tpu.memory_space<hbm>> -> memref<80x16xf32, #tpu.memory_space<hbm>>
        tpu.enqueue_dma source(%dma_start3A_350 : memref<80x16xf32, #tpu.memory_space<hbm>>) target(%arg19 : memref<80x16xf32, #tpu.memory_space<vmem>>) target_semaphore(%arg23 : memref<!tpu.dma_semaphore, #tpu.memory_space<semaphore_mem>>)
      } else {
      }
      %mul3A_219 = arith.constant 2 : i32
      %mul3A_220 = arith.muli %mul3A_219, %add3A_105 : i32
      %add3A_221 = arith.constant 1 : i32
      %add3A_222 = arith.addi %mul3A_220, %add3A_221 : i32
      %add3A_223 = arith.constant 1 : i32
      %add3A_224 = arith.addi %add3A_222, %add3A_223 : i32
      %lt3A_225 = arith.constant 250 : i32
      %lt3A_226 = arith.cmpi slt, %add3A_224, %lt3A_225 : i32
      %convert_element_type3A_227 = arith.extui %lt3A_226 : i1 to i32
      %cond3A_228 = arith.constant 0 : i32
      %cond3A_229 = arith.cmpi ne, %convert_element_type3A_227, %cond3A_228 : i32
      scf.if %cond3A_229 {
        %add3A_337 = arith.constant 1 : i32
        %add3A_338 = arith.addi %add3A_222, %add3A_337 : i32
        %mul3A_339 = arith.constant 80 : i32
        %mul3A_340 = arith.muli %add3A_338, %mul3A_339 : i32
        %add3A_341 = arith.addi %mul3A_4, %mul3A_340 : i32
        %multiple_of3A_342 = tpu.assume_multiple %add3A_341, 8 : i32
        %dma_wait3A_343 = tpu.memref_slice %arg4[%multiple_of3A_342] : memref<320000xi32, #tpu.memory_space<hbm>> -> memref<80xi32, #tpu.memory_space<hbm>>
        %dma_wait3A_344 = tpu.memref_slice %arg4[%multiple_of3A_342] : memref<320000xi32, #tpu.memory_space<hbm>> -> memref<80xi32, #tpu.memory_space<hbm>>
        tpu.wait_dma2 semaphore(%arg23 : memref<!tpu.dma_semaphore, #tpu.memory_space<semaphore_mem>>) src(%dma_wait3A_344 : memref<80xi32, #tpu.memory_space<hbm>>) dst(%arg9 : memref<80xi32, #tpu.memory_space<vmem>>)
        %dma_wait3A_345 = tpu.memref_slice %arg5[%multiple_of3A_342] : memref<320000xi32, #tpu.memory_space<hbm>> -> memref<80xi32, #tpu.memory_space<hbm>>
        %dma_wait3A_346 = tpu.memref_slice %arg5[%multiple_of3A_342] : memref<320000xi32, #tpu.memory_space<hbm>> -> memref<80xi32, #tpu.memory_space<hbm>>
        tpu.wait_dma2 semaphore(%arg23 : memref<!tpu.dma_semaphore, #tpu.memory_space<semaphore_mem>>) src(%dma_wait3A_346 : memref<80xi32, #tpu.memory_space<hbm>>) dst(%arg11 : memref<80xi32, #tpu.memory_space<vmem>>)
        %dma_wait3A_347 = arith.constant 0 : i32
        %dma_wait3A_348 = tpu.memref_slice %arg6[%multiple_of3A_342, %dma_wait3A_347] : memref<320000x16xf32, #tpu.memory_space<hbm>> -> memref<80x16xf32, #tpu.memory_space<hbm>>
        %dma_wait3A_349 = arith.constant 0 : i32
        %dma_wait3A_350 = tpu.memref_slice %arg6[%multiple_of3A_342, %dma_wait3A_349] : memref<320000x16xf32, #tpu.memory_space<hbm>> -> memref<80x16xf32, #tpu.memory_space<hbm>>
        tpu.wait_dma2 semaphore(%arg23 : memref<!tpu.dma_semaphore, #tpu.memory_space<semaphore_mem>>) src(%dma_wait3A_350 : memref<80x16xf32, #tpu.memory_space<hbm>>) dst(%arg19 : memref<80x16xf32, #tpu.memory_space<vmem>>)
        %get3A_351 = arith.constant 0 : index
        %get3A_352 = tpu.vector_load %arg9[%get3A_351] {strides = array<i32>} : memref<80xi32, #tpu.memory_space<vmem>>, vector<16xi32>,
        %add3A_353 = arith.addi %get3A_352, %broadcast_in_dim3A : vector<16xi32>
        %swap3A_354 = arith.constant 0 : index
        %swap3A_355 = tpu.vector_load %arg13[%swap3A_354] {strides = array<i32>} : memref<80xi32, #tpu.memory_space<vmem>>, vector<16xi32>,
        tpu.vector_store %arg13[%swap3A_354], %add3A_353 {strides = array<i32>} : memref<80xi32, #tpu.memory_space<vmem>>, vector<16xi32>,
        %get3A_356 = arith.constant 0 : index
        %get3A_357 = tpu.vector_load %arg11[%get3A_356] {strides = array<i32>} : memref<80xi32, #tpu.memory_space<vmem>>, vector<16xi32>,
        %add3A_358 = arith.addi %get3A_357, %broadcast_in_dim3A : vector<16xi32>
        %swap3A_359 = arith.constant 0 : index
        %swap3A_360 = tpu.vector_load %arg11[%swap3A_359] {strides = array<i32>} : memref<80xi32, #tpu.memory_space<vmem>>, vector<16xi32>,
        tpu.vector_store %arg11[%swap3A_359], %add3A_358 {strides = array<i32>} : memref<80xi32, #tpu.memory_space<vmem>>, vector<16xi32>,
        %get3A_361 = arith.constant 16 : index
        %get3A_362 = tpu.vector_load %arg9[%get3A_361] {strides = array<i32>} : memref<80xi32, #tpu.memory_space<vmem>>, vector<16xi32>,
        %add3A_363 = arith.addi %get3A_362, %broadcast_in_dim3A : vector<16xi32>
        %swap3A_364 = arith.constant 16 : index
        %swap3A_365 = tpu.vector_load %arg13[%swap3A_364] {strides = array<i32>} : memref<80xi32, #tpu.memory_space<vmem>>, vector<16xi32>,
        tpu.vector_store %arg13[%swap3A_364], %add3A_363 {strides = array<i32>} : memref<80xi32, #tpu.memory_space<vmem>>, vector<16xi32>,
        %get3A_366 = arith.constant 16 : index
        %get3A_367 = tpu.vector_load %arg11[%get3A_366] {strides = array<i32>} : memref<80xi32, #tpu.memory_space<vmem>>, vector<16xi32>,
        %add3A_368 = arith.addi %get3A_367, %broadcast_in_dim3A : vector<16xi32>
        %swap3A_369 = arith.constant 16 : index
        %swap3A_370 = tpu.vector_load %arg11[%swap3A_369] {strides = array<i32>} : memref<80xi32, #tpu.memory_space<vmem>>, vector<16xi32>,
        tpu.vector_store %arg11[%swap3A_369], %add3A_368 {strides = array<i32>} : memref<80xi32, #tpu.memory_space<vmem>>, vector<16xi32>,
        %get3A_371 = arith.constant 32 : index
        %get3A_372 = tpu.vector_load %arg9[%get3A_371] {strides = array<i32>} : memref<80xi32, #tpu.memory_space<vmem>>, vector<16xi32>,
        %add3A_373 = arith.addi %get3A_372, %broadcast_in_dim3A : vector<16xi32>
        %swap3A_374 = arith.constant 32 : index
        %swap3A_375 = tpu.vector_load %arg13[%swap3A_374] {strides = array<i32>} : memref<80xi32, #tpu.memory_space<vmem>>, vector<16xi32>,
        tpu.vector_store %arg13[%swap3A_374], %add3A_373 {strides = array<i32>} : memref<80xi32, #tpu.memory_space<vmem>>, vector<16xi32>,
        %get3A_376 = arith.constant 32 : index
        %get3A_377 = tpu.vector_load %arg11[%get3A_376] {strides = array<i32>} : memref<80xi32, #tpu.memory_space<vmem>>, vector<16xi32>,
        %add3A_378 = arith.addi %get3A_377, %broadcast_in_dim3A : vector<16xi32>
        %swap3A_379 = arith.constant 32 : index
        %swap3A_380 = tpu.vector_load %arg11[%swap3A_379] {strides = array<i32>} : memref<80xi32, #tpu.memory_space<vmem>>, vector<16xi32>,
        tpu.vector_store %arg11[%swap3A_379], %add3A_378 {strides = array<i32>} : memref<80xi32, #tpu.memory_space<vmem>>, vector<16xi32>,
        %get3A_381 = arith.constant 48 : index
        %get3A_382 = tpu.vector_load %arg9[%get3A_381] {strides = array<i32>} : memref<80xi32, #tpu.memory_space<vmem>>, vector<16xi32>,
        %add3A_383 = arith.addi %get3A_382, %broadcast_in_dim3A : vector<16xi32>
        %swap3A_384 = arith.constant 48 : index
        %swap3A_385 = tpu.vector_load %arg13[%swap3A_384] {strides = array<i32>} : memref<80xi32, #tpu.memory_space<vmem>>, vector<16xi32>,
        tpu.vector_store %arg13[%swap3A_384], %add3A_383 {strides = array<i32>} : memref<80xi32, #tpu.memory_space<vmem>>, vector<16xi32>,
        %get3A_386 = arith.constant 48 : index
        %get3A_387 = tpu.vector_load %arg11[%get3A_386] {strides = array<i32>} : memref<80xi32, #tpu.memory_space<vmem>>, vector<16xi32>,
        %add3A_388 = arith.addi %get3A_387, %broadcast_in_dim3A : vector<16xi32>
        %swap3A_389 = arith.constant 48 : index
        %swap3A_390 = tpu.vector_load %arg11[%swap3A_389] {strides = array<i32>} : memref<80xi32, #tpu.memory_space<vmem>>, vector<16xi32>,
        tpu.vector_store %arg11[%swap3A_389], %add3A_388 {strides = array<i32>} : memref<80xi32, #tpu.memory_space<vmem>>, vector<16xi32>,
        %get3A_391 = arith.constant 64 : index
        %get3A_392 = tpu.vector_load %arg9[%get3A_391] {strides = array<i32>} : memref<80xi32, #tpu.memory_space<vmem>>, vector<16xi32>,
        %add3A_393 = arith.addi %get3A_392, %broadcast_in_dim3A : vector<16xi32>
        %swap3A_394 = arith.constant 64 : index
        %swap3A_395 = tpu.vector_load %arg13[%swap3A_394] {strides = array<i32>} : memref<80xi32, #tpu.memory_space<vmem>>, vector<16xi32>,
        tpu.vector_store %arg13[%swap3A_394], %add3A_393 {strides = array<i32>} : memref<80xi32, #tpu.memory_space<vmem>>, vector<16xi32>,
        %get3A_396 = arith.constant 64 : index
        %get3A_397 = tpu.vector_load %arg11[%get3A_396] {strides = array<i32>} : memref<80xi32, #tpu.memory_space<vmem>>, vector<16xi32>,
        %add3A_398 = arith.addi %get3A_397, %broadcast_in_dim3A : vector<16xi32>
        %swap3A_399 = arith.constant 64 : index
        %swap3A_400 = tpu.vector_load %arg11[%swap3A_399] {strides = array<i32>} : memref<80xi32, #tpu.memory_space<vmem>>, vector<16xi32>,
        tpu.vector_store %arg11[%swap3A_399], %add3A_398 {strides = array<i32>} : memref<80xi32, #tpu.memory_space<vmem>>, vector<16xi32>,
        %dma_start3A_401 = arith.constant 0 : i32
        %dma_start3A_402 = arith.constant 0 : i32
        %dma_start3A_403 = tpu.memref_slice %arg2[%dma_start3A_401, %dma_start3A_402] : memref<20000x128xf32, #tpu.memory_space<hbm>> -> memref<20000x128xf32, #tpu.memory_space<hbm>>
        tpu.enqueue_indirect_dma source(%dma_start3A_403 : memref<20000x128xf32, #tpu.memory_space<hbm>>) target(%arg15 : memref<80x128xf32, #tpu.memory_space<vmem>>) offsets(%arg13 : memref<80xi32, #tpu.memory_space<vmem>>) semaphore(%arg25 : memref<!tpu.dma_semaphore, #tpu.memory_space<semaphore_mem>>)
        %dma_start3A_404 = arith.constant 0 : i32
        %dma_start3A_405 = arith.constant 0 : i32
        %dma_start3A_406 = tpu.memref_slice %arg3[%dma_start3A_404, %dma_start3A_405] : memref<20000x128xf32, #tpu.memory_space<hbm>> -> memref<20000x128xf32, #tpu.memory_space<hbm>>
        tpu.enqueue_indirect_dma source(%dma_start3A_406 : memref<20000x128xf32, #tpu.memory_space<hbm>>) target(%arg17 : memref<80x128xf32, #tpu.memory_space<vmem>>) offsets(%arg11 : memref<80xi32, #tpu.memory_space<vmem>>) semaphore(%arg27 : memref<!tpu.dma_semaphore, #tpu.memory_space<semaphore_mem>>)
      } else {
      }
      %dma_wait3A_230 = arith.constant 0 : i32
      %dma_wait3A_231 = arith.constant 0 : i32
      %dma_wait3A_232 = tpu.memref_slice %arg2[%dma_wait3A_230, %dma_wait3A_231] : memref<20000x128xf32, #tpu.memory_space<hbm>> -> memref<20000x128xf32, #tpu.memory_space<hbm>>
      tpu.wait_indirect_dma semaphore(%arg26 : memref<!tpu.dma_semaphore, #tpu.memory_space<semaphore_mem>>) src(%dma_wait3A_232 : memref<20000x128xf32, #tpu.memory_space<hbm>>) dst(%arg16 : memref<80x128xf32, #tpu.memory_space<vmem>>)
      %dma_wait3A_233 = arith.constant 0 : i32
      %dma_wait3A_234 = arith.constant 0 : i32
      %dma_wait3A_235 = tpu.memref_slice %arg3[%dma_wait3A_233, %dma_wait3A_234] : memref<20000x128xf32, #tpu.memory_space<hbm>> -> memref<20000x128xf32, #tpu.memory_space<hbm>>
      tpu.wait_indirect_dma semaphore(%arg28 : memref<!tpu.dma_semaphore, #tpu.memory_space<semaphore_mem>>) src(%dma_wait3A_235 : memref<20000x128xf32, #tpu.memory_space<hbm>>) dst(%arg18 : memref<80x128xf32, #tpu.memory_space<vmem>>)
      %get3A_236 = arith.constant 0 : i32
      %get3A_237 = arith.index_cast %get3A_236 : i32 to index
      %get3A_238 = arith.constant 0 : index
      %get3A_239 = tpu.vector_load %arg20[%get3A_237, %get3A_238] {strides = array<i32>} : memref<80x16xf32, #tpu.memory_space<vmem>>, vector<16xf32>,
      %get3A_240 = arith.constant 0 : i32
      %get3A_241 = arith.index_cast %get3A_240 : i32 to index
      %get3A_242 = arith.constant 0 : index
      %get3A_243 = tpu.vector_load %arg16[%get3A_241, %get3A_242] {strides = array<i32>} : memref<80x128xf32, #tpu.memory_space<vmem>>, vector<16xf32>,
      %get3A_244 = arith.constant 0 : i32
      %get3A_245 = arith.index_cast %get3A_244 : i32 to index
      %get3A_246 = arith.constant 64 : index
      %get3A_247 = tpu.vector_load %arg16[%get3A_245, %get3A_246] {strides = array<i32>} : memref<80x128xf32, #tpu.memory_space<vmem>>, vector<16xf32>,
      %get3A_248 = arith.constant 0 : i32
      %get3A_249 = arith.index_cast %get3A_248 : i32 to index
      %get3A_250 = arith.constant 0 : index
      %get3A_251 = tpu.vector_load %arg18[%get3A_249, %get3A_250] {strides = array<i32>} : memref<80x128xf32, #tpu.memory_space<vmem>>, vector<16xf32>,
      %mul3A_252 = arith.mulf %get3A_243, %get3A_251 : vector<16xf32>
      %mul3A_253 = arith.mulf %get3A_247, %get3A_239 : vector<16xf32>
      %add3A_254 = arith.addf %mul3A_252, %mul3A_253 : vector<16xf32>
      %reduce_sum3A_255 = arith.constant true
      %reduce_sum3A_256 = vector.broadcast %reduce_sum3A_255 : i1 to vector<16xi1>
      %reduce_sum3A_257 = tpu.scan <sum>, %add3A_254 masked %reduce_sum3A_256 : vector<16xf32>, vector<16xi1> -> vector<16xf32>
      %reduce_sum3A_258 = vector.extract %reduce_sum3A_257[15] : f32 from vector<16xf32>
      %broadcast_in_dim3A_259 = vector.broadcast %reduce_sum3A_258 : f32 to vector<16xf32>
      %exp3A_260 = math.exp %broadcast_in_dim3A_259 : vector<16xf32>
      %get3A_261 = arith.constant 0 : i32
      %get3A_262 = arith.index_cast %get3A_261 : i32 to index
      %get3A_263 = arith.constant 16 : index
      %get3A_264 = tpu.vector_load %arg16[%get3A_262, %get3A_263] {strides = array<i32>} : memref<80x128xf32, #tpu.memory_space<vmem>>, vector<16xf32>,
      %get3A_265 = arith.constant 0 : i32
      %get3A_266 = arith.index_cast %get3A_265 : i32 to index
      %get3A_267 = arith.constant 80 : index
      %get3A_268 = tpu.vector_load %arg16[%get3A_266, %get3A_267] {strides = array<i32>} : memref<80x128xf32, #tpu.memory_space<vmem>>, vector<16xf32>,
      %get3A_269 = arith.constant 0 : i32
      %get3A_270 = arith.index_cast %get3A_269 : i32 to index
      %get3A_271 = arith.constant 16 : index
      %get3A_272 = tpu.vector_load %arg18[%get3A_270, %get3A_271] {strides = array<i32>} : memref<80x128xf32, #tpu.memory_space<vmem>>, vector<16xf32>,
      %mul3A_273 = arith.mulf %get3A_264, %get3A_272 : vector<16xf32>
      %mul3A_274 = arith.mulf %get3A_268, %get3A_239 : vector<16xf32>
      %add3A_275 = arith.addf %mul3A_273, %mul3A_274 : vector<16xf32>
      %reduce_sum3A_276 = arith.constant true
      %reduce_sum3A_277 = vector.broadcast %reduce_sum3A_276 : i1 to vector<16xi1>
      %reduce_sum3A_278 = tpu.scan <sum>, %add3A_275 masked %reduce_sum3A_277 : vector<16xf32>, vector<16xi1> -> vector<16xf32>
      %reduce_sum3A_279 = vector.extract %reduce_sum3A_278[15] : f32 from vector<16xf32>
      %broadcast_in_dim3A_280 = vector.broadcast %reduce_sum3A_279 : f32 to vector<16xf32>
      %exp3A_281 = math.exp %broadcast_in_dim3A_280 : vector<16xf32>
      %get3A_282 = arith.constant 0 : i32
      %get3A_283 = arith.index_cast %get3A_282 : i32 to index
      %get3A_284 = arith.constant 32 : index
      %get3A_285 = tpu.vector_load %arg16[%get3A_283, %get3A_284] {strides = array<i32>} : memref<80x128xf32, #tpu.memory_space<vmem>>, vector<16xf32>,
      %get3A_286 = arith.constant 0 : i32
      %get3A_287 = arith.index_cast %get3A_286 : i32 to index
      %get3A_288 = arith.constant 96 : index
      %get3A_289 = tpu.vector_load %arg16[%get3A_287, %get3A_288] {strides = array<i32>} : memref<80x128xf32, #tpu.memory_space<vmem>>, vector<16xf32>,
      %get3A_290 = arith.constant 0 : i32
      %get3A_291 = arith.index_cast %get3A_290 : i32 to index
      %get3A_292 = arith.constant 32 : index
      %get3A_293 = tpu.vector_load %arg18[%get3A_291, %get3A_292] {strides = array<i32>} : memref<80x128xf32, #tpu.memory_space<vmem>>, vector<16xf32>,
      %mul3A_294 = arith.mulf %get3A_285, %get3A_293 : vector<16xf32>
      %mul3A_295 = arith.mulf %get3A_289, %get3A_239 : vector<16xf32>
      %add3A_296 = arith.addf %mul3A_294, %mul3A_295 : vector<16xf32>
      %reduce_sum3A_297 = arith.constant true
      %reduce_sum3A_298 = vector.broadcast %reduce_sum3A_297 : i1 to vector<16xi1>
      %reduce_sum3A_299 = tpu.scan <sum>, %add3A_296 masked %reduce_sum3A_298 : vector<16xf32>, vector<16xi1> -> vector<16xf32>
      %reduce_sum3A_300 = vector.extract %reduce_sum3A_299[15] : f32 from vector<16xf32>
      %broadcast_in_dim3A_301 = vector.broadcast %reduce_sum3A_300 : f32 to vector<16xf32>
      %exp3A_302 = math.exp %broadcast_in_dim3A_301 : vector<16xf32>
      %get3A_303 = arith.constant 0 : i32
      %get3A_304 = arith.index_cast %get3A_303 : i32 to index
      %get3A_305 = arith.constant 48 : index
      %get3A_306 = tpu.vector_load %arg16[%get3A_304, %get3A_305] {strides = array<i32>} : memref<80x128xf32, #tpu.memory_space<vmem>>, vector<16xf32>,
      %get3A_307 = arith.constant 0 : i32
      %get3A_308 = arith.index_cast %get3A_307 : i32 to index
      %get3A_309 = arith.constant 112 : index
      %get3A_310 = tpu.vector_load %arg16[%get3A_308, %get3A_309] {strides = array<i32>} : memref<80x128xf32, #tpu.memory_space<vmem>>, vector<16xf32>,
      %get3A_311 = arith.constant 0 : i32
      %get3A_312 = arith.index_cast %get3A_311 : i32 to index
      %get3A_313 = arith.constant 48 : index
      %get3A_314 = tpu.vector_load %arg18[%get3A_312, %get3A_313] {strides = array<i32>} : memref<80x128xf32, #tpu.memory_space<vmem>>, vector<16xf32>,
      %mul3A_315 = arith.mulf %get3A_306, %get3A_314 : vector<16xf32>
      %mul3A_316 = arith.mulf %get3A_310, %get3A_239 : vector<16xf32>
      %add3A_317 = arith.addf %mul3A_315, %mul3A_316 : vector<16xf32>
      %reduce_sum3A_318 = arith.constant true
      %reduce_sum3A_319 = vector.broadcast %reduce_sum3A_318 : i1 to vector<16xi1>
      %reduce_sum3A_320 = tpu.scan <sum>, %add3A_317 masked %reduce_sum3A_319 : vector<16xf32>, vector<16xi1> -> vector<16xf32>
      %reduce_sum3A_321 = vector.extract %reduce_sum3A_320[15] : f32 from vector<16xf32>
      %broadcast_in_dim3A_322 = vector.broadcast %reduce_sum3A_321 : f32 to vector<16xf32>
      %exp3A_323 = math.exp %broadcast_in_dim3A_322 : vector<16xf32>
      %scan3A_324 = arith.constant 0 : i32
      %scan3A_325 = arith.constant 80 : i32
      %scan3A_326 = arith.addi %scan3A_324, %scan3A_325 : i32
      %scan3A_327 = arith.constant 1 : i32
      %scan3A_328:4 = scf.for %scan3A_337 = %scan3A_324 to %scan3A_326 step %scan3A_327 iter_args(%scan3A_338 = %exp3A_260, %scan3A_339 = %exp3A_281, %scan3A_340 = %exp3A_302, %scan3A_341 = %exp3A_323) -> (vector<16xf32>, vector<16xf32>, vector<16xf32>, vector<16xf32>)  : i32 {
        %add3A_342 = arith.constant 1 : i32
        %add3A_343 = arith.addi %scan3A_337, %add3A_342 : i32
        %min3A = arith.constant 79 : i32
        %min3A_344 = arith.minsi %add3A_343, %min3A : i32
        %get3A_345 = arith.index_cast %min3A_344 : i32 to index
        %get3A_346 = arith.constant 0 : index
        %get3A_347 = tpu.vector_load %arg20[%get3A_345, %get3A_346] {strides = array<i32>} : memref<80x16xf32, #tpu.memory_space<vmem>>, vector<16xf32>,
        %get3A_348 = arith.index_cast %min3A_344 : i32 to index
        %get3A_349 = arith.constant 0 : index
        %get3A_350 = tpu.vector_load %arg16[%get3A_348, %get3A_349] {strides = array<i32>} : memref<80x128xf32, #tpu.memory_space<vmem>>, vector<16xf32>,
        %get3A_351 = arith.index_cast %min3A_344 : i32 to index
        %get3A_352 = arith.constant 64 : index
        %get3A_353 = tpu.vector_load %arg16[%get3A_351, %get3A_352] {strides = array<i32>} : memref<80x128xf32, #tpu.memory_space<vmem>>, vector<16xf32>,
        %get3A_354 = arith.index_cast %min3A_344 : i32 to index
        %get3A_355 = arith.constant 0 : index
        %get3A_356 = tpu.vector_load %arg18[%get3A_354, %get3A_355] {strides = array<i32>} : memref<80x128xf32, #tpu.memory_space<vmem>>, vector<16xf32>,
        %mul3A_357 = arith.mulf %get3A_350, %get3A_356 : vector<16xf32>
        %mul3A_358 = arith.mulf %get3A_353, %get3A_347 : vector<16xf32>
        %add3A_359 = arith.addf %mul3A_357, %mul3A_358 : vector<16xf32>
        %reduce_sum3A_360 = arith.constant true
        %reduce_sum3A_361 = vector.broadcast %reduce_sum3A_360 : i1 to vector<16xi1>
        %reduce_sum3A_362 = tpu.scan <sum>, %add3A_359 masked %reduce_sum3A_361 : vector<16xf32>, vector<16xi1> -> vector<16xf32>
        %reduce_sum3A_363 = vector.extract %reduce_sum3A_362[15] : f32 from vector<16xf32>
        %broadcast_in_dim3A_364 = vector.broadcast %reduce_sum3A_363 : f32 to vector<16xf32>
        %exp3A_365 = math.exp %broadcast_in_dim3A_364 : vector<16xf32>
        %get3A_366 = arith.index_cast %min3A_344 : i32 to index
        %get3A_367 = arith.constant 16 : index
        %get3A_368 = tpu.vector_load %arg16[%get3A_366, %get3A_367] {strides = array<i32>} : memref<80x128xf32, #tpu.memory_space<vmem>>, vector<16xf32>,
        %get3A_369 = arith.index_cast %min3A_344 : i32 to index
        %get3A_370 = arith.constant 80 : index
        %get3A_371 = tpu.vector_load %arg16[%get3A_369, %get3A_370] {strides = array<i32>} : memref<80x128xf32, #tpu.memory_space<vmem>>, vector<16xf32>,
        %get3A_372 = arith.index_cast %min3A_344 : i32 to index
        %get3A_373 = arith.constant 16 : index
        %get3A_374 = tpu.vector_load %arg18[%get3A_372, %get3A_373] {strides = array<i32>} : memref<80x128xf32, #tpu.memory_space<vmem>>, vector<16xf32>,
        %mul3A_375 = arith.mulf %get3A_368, %get3A_374 : vector<16xf32>
        %mul3A_376 = arith.mulf %get3A_371, %get3A_347 : vector<16xf32>
        %add3A_377 = arith.addf %mul3A_375, %mul3A_376 : vector<16xf32>
        %reduce_sum3A_378 = arith.constant true
        %reduce_sum3A_379 = vector.broadcast %reduce_sum3A_378 : i1 to vector<16xi1>
        %reduce_sum3A_380 = tpu.scan <sum>, %add3A_377 masked %reduce_sum3A_379 : vector<16xf32>, vector<16xi1> -> vector<16xf32>
        %reduce_sum3A_381 = vector.extract %reduce_sum3A_380[15] : f32 from vector<16xf32>
        %broadcast_in_dim3A_382 = vector.broadcast %reduce_sum3A_381 : f32 to vector<16xf32>
        %exp3A_383 = math.exp %broadcast_in_dim3A_382 : vector<16xf32>
        %get3A_384 = arith.index_cast %min3A_344 : i32 to index
        %get3A_385 = arith.constant 32 : index
        %get3A_386 = tpu.vector_load %arg16[%get3A_384, %get3A_385] {strides = array<i32>} : memref<80x128xf32, #tpu.memory_space<vmem>>, vector<16xf32>,
        %get3A_387 = arith.index_cast %min3A_344 : i32 to index
        %get3A_388 = arith.constant 96 : index
        %get3A_389 = tpu.vector_load %arg16[%get3A_387, %get3A_388] {strides = array<i32>} : memref<80x128xf32, #tpu.memory_space<vmem>>, vector<16xf32>,
        %get3A_390 = arith.index_cast %min3A_344 : i32 to index
        %get3A_391 = arith.constant 32 : index
        %get3A_392 = tpu.vector_load %arg18[%get3A_390, %get3A_391] {strides = array<i32>} : memref<80x128xf32, #tpu.memory_space<vmem>>, vector<16xf32>,
        %mul3A_393 = arith.mulf %get3A_386, %get3A_392 : vector<16xf32>
        %mul3A_394 = arith.mulf %get3A_389, %get3A_347 : vector<16xf32>
        %add3A_395 = arith.addf %mul3A_393, %mul3A_394 : vector<16xf32>
        %reduce_sum3A_396 = arith.constant true
        %reduce_sum3A_397 = vector.broadcast %reduce_sum3A_396 : i1 to vector<16xi1>
        %reduce_sum3A_398 = tpu.scan <sum>, %add3A_395 masked %reduce_sum3A_397 : vector<16xf32>, vector<16xi1> -> vector<16xf32>
        %reduce_sum3A_399 = vector.extract %reduce_sum3A_398[15] : f32 from vector<16xf32>
        %broadcast_in_dim3A_400 = vector.broadcast %reduce_sum3A_399 : f32 to vector<16xf32>
        %exp3A_401 = math.exp %broadcast_in_dim3A_400 : vector<16xf32>
        %get3A_402 = arith.index_cast %min3A_344 : i32 to index
        %get3A_403 = arith.constant 48 : index
        %get3A_404 = tpu.vector_load %arg16[%get3A_402, %get3A_403] {strides = array<i32>} : memref<80x128xf32, #tpu.memory_space<vmem>>, vector<16xf32>,
        %get3A_405 = arith.index_cast %min3A_344 : i32 to index
        %get3A_406 = arith.constant 112 : index
        %get3A_407 = tpu.vector_load %arg16[%get3A_405, %get3A_406] {strides = array<i32>} : memref<80x128xf32, #tpu.memory_space<vmem>>, vector<16xf32>,
        %get3A_408 = arith.index_cast %min3A_344 : i32 to index
        %get3A_409 = arith.constant 48 : index
        %get3A_410 = tpu.vector_load %arg18[%get3A_408, %get3A_409] {strides = array<i32>} : memref<80x128xf32, #tpu.memory_space<vmem>>, vector<16xf32>,
        %mul3A_411 = arith.mulf %get3A_404, %get3A_410 : vector<16xf32>
        %mul3A_412 = arith.mulf %get3A_407, %get3A_347 : vector<16xf32>
        %add3A_413 = arith.addf %mul3A_411, %mul3A_412 : vector<16xf32>
        %reduce_sum3A_414 = arith.constant true
        %reduce_sum3A_415 = vector.broadcast %reduce_sum3A_414 : i1 to vector<16xi1>
        %reduce_sum3A_416 = tpu.scan <sum>, %add3A_413 masked %reduce_sum3A_415 : vector<16xf32>, vector<16xi1> -> vector<16xf32>
        %reduce_sum3A_417 = vector.extract %reduce_sum3A_416[15] : f32 from vector<16xf32>
        %broadcast_in_dim3A_418 = vector.broadcast %reduce_sum3A_417 : f32 to vector<16xf32>
        %exp3A_419 = math.exp %broadcast_in_dim3A_418 : vector<16xf32>
        %broadcast_in_dim3A_420 = arith.constant 0.000000e+00 : f32
        %broadcast_in_dim3A_421 = vector.broadcast %broadcast_in_dim3A_420 : f32 to vector<16xf32>
        %get3A_422 = arith.index_cast %scan3A_337 : i32 to index
        %get3A_423 = arith.constant 64 : index
        %get3A_424 = tpu.vector_load %arg18[%get3A_422, %get3A_423] {strides = array<i32>} : memref<80x128xf32, #tpu.memory_space<vmem>>, vector<16xf32>,
        %mul3A_425 = arith.mulf %scan3A_338, %get3A_424 : vector<16xf32>
        %swap3A_426 = arith.index_cast %scan3A_337 : i32 to index
        %swap3A_427 = arith.constant 0 : index
        %swap3A_428 = tpu.vector_load %arg21[%swap3A_426, %swap3A_427] {strides = array<i32>} : memref<80x80xf32, #tpu.memory_space<vmem>>, vector<16xf32>,
        tpu.vector_store %arg21[%swap3A_426, %swap3A_427], %mul3A_425 {strides = array<i32>} : memref<80x80xf32, #tpu.memory_space<vmem>>, vector<16xf32>,
        %eq3A = arith.constant 0 : i32
        %eq3A_429 = vector.broadcast %eq3A : i32 to vector<16xi32>
        %eq3A_430 = arith.cmpi eq, %iota3A, %eq3A_429 : vector<16xi32>
        %select_n3A = arith.select %eq3A_430, %scan3A_338, %broadcast_in_dim3A_421 : vector<16xi1>, vector<16xf32>
        %get3A_431 = arith.index_cast %scan3A_337 : i32 to index
        %get3A_432 = arith.constant 80 : index
        %get3A_433 = tpu.vector_load %arg18[%get3A_431, %get3A_432] {strides = array<i32>} : memref<80x128xf32, #tpu.memory_space<vmem>>, vector<16xf32>,
        %mul3A_434 = arith.mulf %scan3A_339, %get3A_433 : vector<16xf32>
        %swap3A_435 = arith.index_cast %scan3A_337 : i32 to index
        %swap3A_436 = arith.constant 16 : index
        %swap3A_437 = tpu.vector_load %arg21[%swap3A_435, %swap3A_436] {strides = array<i32>} : memref<80x80xf32, #tpu.memory_space<vmem>>, vector<16xf32>,
        tpu.vector_store %arg21[%swap3A_435, %swap3A_436], %mul3A_434 {strides = array<i32>} : memref<80x80xf32, #tpu.memory_space<vmem>>, vector<16xf32>,
        %eq3A_438 = arith.constant 1 : i32
        %eq3A_439 = vector.broadcast %eq3A_438 : i32 to vector<16xi32>
        %eq3A_440 = arith.cmpi eq, %iota3A, %eq3A_439 : vector<16xi32>
        %select_n3A_441 = arith.select %eq3A_440, %scan3A_339, %select_n3A : vector<16xi1>, vector<16xf32>
        %get3A_442 = arith.index_cast %scan3A_337 : i32 to index
        %get3A_443 = arith.constant 96 : index
        %get3A_444 = tpu.vector_load %arg18[%get3A_442, %get3A_443] {strides = array<i32>} : memref<80x128xf32, #tpu.memory_space<vmem>>, vector<16xf32>,
        %mul3A_445 = arith.mulf %scan3A_340, %get3A_444 : vector<16xf32>
        %swap3A_446 = arith.index_cast %scan3A_337 : i32 to index
        %swap3A_447 = arith.constant 32 : index
        %swap3A_448 = tpu.vector_load %arg21[%swap3A_446, %swap3A_447] {strides = array<i32>} : memref<80x80xf32, #tpu.memory_space<vmem>>, vector<16xf32>,
        tpu.vector_store %arg21[%swap3A_446, %swap3A_447], %mul3A_445 {strides = array<i32>} : memref<80x80xf32, #tpu.memory_space<vmem>>, vector<16xf32>,
        %eq3A_449 = arith.constant 2 : i32
        %eq3A_450 = vector.broadcast %eq3A_449 : i32 to vector<16xi32>
        %eq3A_451 = arith.cmpi eq, %iota3A, %eq3A_450 : vector<16xi32>
        %select_n3A_452 = arith.select %eq3A_451, %scan3A_340, %select_n3A_441 : vector<16xi1>, vector<16xf32>
        %get3A_453 = arith.index_cast %scan3A_337 : i32 to index
        %get3A_454 = arith.constant 112 : index
        %get3A_455 = tpu.vector_load %arg18[%get3A_453, %get3A_454] {strides = array<i32>} : memref<80x128xf32, #tpu.memory_space<vmem>>, vector<16xf32>,
        %mul3A_456 = arith.mulf %scan3A_341, %get3A_455 : vector<16xf32>
        %swap3A_457 = arith.index_cast %scan3A_337 : i32 to index
        %swap3A_458 = arith.constant 48 : index
        %swap3A_459 = tpu.vector_load %arg21[%swap3A_457, %swap3A_458] {strides = array<i32>} : memref<80x80xf32, #tpu.memory_space<vmem>>, vector<16xf32>,
        tpu.vector_store %arg21[%swap3A_457, %swap3A_458], %mul3A_456 {strides = array<i32>} : memref<80x80xf32, #tpu.memory_space<vmem>>, vector<16xf32>,
        %eq3A_460 = arith.constant 3 : i32
        %eq3A_461 = vector.broadcast %eq3A_460 : i32 to vector<16xi32>
        %eq3A_462 = arith.cmpi eq, %iota3A, %eq3A_461 : vector<16xi32>
        %select_n3A_463 = arith.select %eq3A_462, %scan3A_341, %select_n3A_452 : vector<16xi1>, vector<16xf32>
        %swap3A_464 = arith.index_cast %scan3A_337 : i32 to index
        %swap3A_465 = arith.constant 64 : index
        %swap3A_466 = tpu.vector_load %arg21[%swap3A_464, %swap3A_465] {strides = array<i32>} : memref<80x80xf32, #tpu.memory_space<vmem>>, vector<16xf32>,
        tpu.vector_store %arg21[%swap3A_464, %swap3A_465], %select_n3A_463 {strides = array<i32>} : memref<80x80xf32, #tpu.memory_space<vmem>>, vector<16xf32>,
        scf.yield %exp3A_365, %exp3A_383, %exp3A_401, %exp3A_419 : vector<16xf32>, vector<16xf32>, vector<16xf32>, vector<16xf32>
      }
      %scan3A_329 = arith.constant 80 : i32
      "tpu.region"() ({
        %run_scoped3A = tpu.sem_alloc : memref<!tpu.dma_semaphore, #tpu.memory_space<semaphore_mem>>
        %dma_start3A_337 = arith.constant 0 : i32
        %dma_start3A_338 = arith.constant 0 : i32
        %dma_start3A_339 = tpu.memref_slice %arg22[%dma_start3A_337, %dma_start3A_338] : memref<10000x80xf32, #tpu.memory_space<vmem_shared>> -> memref<10000x80xf32, #tpu.memory_space<vmem_shared>>
        tpu.enqueue_indirect_dma source(%arg21 : memref<80x80xf32, #tpu.memory_space<vmem>>) target(%dma_start3A_339 : memref<10000x80xf32, #tpu.memory_space<vmem_shared>>) offsets(%arg10 : memref<80xi32, #tpu.memory_space<vmem>>) semaphore(%run_scoped3A : memref<!tpu.dma_semaphore, #tpu.memory_space<semaphore_mem>>) {add = true}
        %dma_wait3A_340 = arith.constant 0 : i32
        %dma_wait3A_341 = arith.constant 0 : i32
        %dma_wait3A_342 = tpu.memref_slice %arg22[%dma_wait3A_340, %dma_wait3A_341] : memref<10000x80xf32, #tpu.memory_space<vmem_shared>> -> memref<10000x80xf32, #tpu.memory_space<vmem_shared>>
        tpu.wait_indirect_dma semaphore(%run_scoped3A : memref<!tpu.dma_semaphore, #tpu.memory_space<semaphore_mem>>) src(%arg21 : memref<80x80xf32, #tpu.memory_space<vmem>>) dst(%dma_wait3A_342 : memref<10000x80xf32, #tpu.memory_space<vmem_shared>>)
        tpu.yield
      }) : () -> ()
      %add3A_330 = arith.constant 2 : i32
      %add3A_331 = arith.addi %add3A_222, %add3A_330 : i32
      %lt3A_332 = arith.constant 250 : i32
      %lt3A_333 = arith.cmpi slt, %add3A_331, %lt3A_332 : i32
      %convert_element_type3A_334 = arith.extui %lt3A_333 : i1 to i32
      %cond3A_335 = arith.constant 0 : i32
      %cond3A_336 = arith.cmpi ne, %convert_element_type3A_334, %cond3A_335 : i32
      scf.if %cond3A_336 {
        %add3A_337 = arith.constant 2 : i32
        %add3A_338 = arith.addi %add3A_222, %add3A_337 : i32
        %mul3A_339 = arith.constant 80 : i32
        %mul3A_340 = arith.muli %add3A_338, %mul3A_339 : i32
        %add3A_341 = arith.addi %mul3A_4, %mul3A_340 : i32
        %multiple_of3A_342 = tpu.assume_multiple %add3A_341, 8 : i32
        %dma_start3A_343 = tpu.memref_slice %arg4[%multiple_of3A_342] : memref<320000xi32, #tpu.memory_space<hbm>> -> memref<80xi32, #tpu.memory_space<hbm>>
        %dma_start3A_344 = tpu.memref_slice %arg4[%multiple_of3A_342] : memref<320000xi32, #tpu.memory_space<hbm>> -> memref<80xi32, #tpu.memory_space<hbm>>
        tpu.enqueue_dma source(%dma_start3A_344 : memref<80xi32, #tpu.memory_space<hbm>>) target(%arg10 : memref<80xi32, #tpu.memory_space<vmem>>) target_semaphore(%arg24 : memref<!tpu.dma_semaphore, #tpu.memory_space<semaphore_mem>>)
        %dma_start3A_345 = tpu.memref_slice %arg5[%multiple_of3A_342] : memref<320000xi32, #tpu.memory_space<hbm>> -> memref<80xi32, #tpu.memory_space<hbm>>
        %dma_start3A_346 = tpu.memref_slice %arg5[%multiple_of3A_342] : memref<320000xi32, #tpu.memory_space<hbm>> -> memref<80xi32, #tpu.memory_space<hbm>>
        tpu.enqueue_dma source(%dma_start3A_346 : memref<80xi32, #tpu.memory_space<hbm>>) target(%arg12 : memref<80xi32, #tpu.memory_space<vmem>>) target_semaphore(%arg24 : memref<!tpu.dma_semaphore, #tpu.memory_space<semaphore_mem>>)
        %dma_start3A_347 = arith.constant 0 : i32
        %dma_start3A_348 = tpu.memref_slice %arg6[%multiple_of3A_342, %dma_start3A_347] : memref<320000x16xf32, #tpu.memory_space<hbm>> -> memref<80x16xf32, #tpu.memory_space<hbm>>
        %dma_start3A_349 = arith.constant 0 : i32
        %dma_start3A_350 = tpu.memref_slice %arg6[%multiple_of3A_342, %dma_start3A_349] : memref<320000x16xf32, #tpu.memory_space<hbm>> -> memref<80x16xf32, #tpu.memory_space<hbm>>
        tpu.enqueue_dma source(%dma_start3A_350 : memref<80x16xf32, #tpu.memory_space<hbm>>) target(%arg20 : memref<80x16xf32, #tpu.memory_space<vmem>>) target_semaphore(%arg24 : memref<!tpu.dma_semaphore, #tpu.memory_space<semaphore_mem>>)
      } else {
      }
    }
    %scan3A_94 = arith.constant 125 : i32
    %barrier3A_95 = arith.constant 0 : index
    tpu.barrier barrier_id(%barrier3A_95)
    %scan3A_96 = arith.constant 0 : i32
    %scan3A_97 = arith.constant 79 : i32
    %scan3A_98 = arith.addi %scan3A_96, %scan3A_97 : i32
    %scan3A_99 = arith.constant 1 : i32
    scf.for %scan3A_101 = %scan3A_96 to %scan3A_98 step %scan3A_99  : i32 {
      %mul3A_102 = arith.constant 1 : i32
      %mul3A_103 = arith.muli %scan3A_101, %mul3A_102 : i32
      %add3A_104 = arith.constant 0 : i32
      %add3A_105 = arith.addi %add3A_104, %mul3A_103 : i32
      %mul3A_106 = arith.constant 16 : i32
      %mul3A_107 = arith.muli %add3A_105, %mul3A_106 : i32
      %add3A_108 = arith.addi %mul3A_107, %arg1 : i32
      %lt3A = arith.constant 1250 : i32
      %lt3A_109 = arith.cmpi slt, %add3A_108, %lt3A : i32
      %convert_element_type3A = arith.extui %lt3A_109 : i1 to i32
      %cond3A = arith.constant 0 : i32
      %cond3A_110 = arith.cmpi ne, %convert_element_type3A, %cond3A : i32
      scf.if %cond3A_110 {
        %mul3A_111 = arith.constant 8 : i32
        %mul3A_112 = arith.muli %add3A_108, %mul3A_111 : i32
        %multiple_of3A_113 = tpu.assume_multiple %mul3A_112, 8 : i32
        %mul3A_114 = arith.constant 10000 : i32
        %mul3A_115 = arith.muli %arg0, %mul3A_114 : i32
        %mul3A_116 = arith.constant 8 : i32
        %mul3A_117 = arith.muli %add3A_108, %mul3A_116 : i32
        %add3A_118 = arith.addi %mul3A_115, %mul3A_117 : i32
        %multiple_of3A_119 = tpu.assume_multiple %add3A_118, 8 : i32
        "tpu.region"() ({
          %run_scoped3A = tpu.sem_alloc : memref<!tpu.dma_semaphore, #tpu.memory_space<semaphore_mem>>
          %dma_start3A_120 = arith.constant 0 : i32
          %dma_start3A_121 = tpu.memref_slice %arg8[%multiple_of3A_119, %dma_start3A_120] : memref<20000x80xf32, #tpu.memory_space<hbm>> -> memref<8x80xf32, #tpu.memory_space<hbm>>
          %dma_start3A_122 = arith.constant 0 : i32
          %dma_start3A_123 = tpu.memref_slice %arg22[%multiple_of3A_113, %dma_start3A_122] : memref<10000x80xf32, #tpu.memory_space<vmem_shared>> -> memref<8x80xf32, #tpu.memory_space<vmem_shared>>
          tpu.enqueue_dma source(%dma_start3A_123 : memref<8x80xf32, #tpu.memory_space<vmem_shared>>) target(%dma_start3A_121 : memref<8x80xf32, #tpu.memory_space<hbm>>) target_semaphore(%run_scoped3A : memref<!tpu.dma_semaphore, #tpu.memory_space<semaphore_mem>>)
          %dma_wait3A_124 = arith.constant 0 : i32
          %dma_wait3A_125 = tpu.memref_slice %arg8[%multiple_of3A_119, %dma_wait3A_124] : memref<20000x80xf32, #tpu.memory_space<hbm>> -> memref<8x80xf32, #tpu.memory_space<hbm>>
          %dma_wait3A_126 = arith.constant 0 : i32
          %dma_wait3A_127 = tpu.memref_slice %arg22[%multiple_of3A_113, %dma_wait3A_126] : memref<10000x80xf32, #tpu.memory_space<vmem_shared>> -> memref<8x80xf32, #tpu.memory_space<vmem_shared>>
          tpu.wait_dma2 semaphore(%run_scoped3A : memref<!tpu.dma_semaphore, #tpu.memory_space<semaphore_mem>>) src(%dma_wait3A_127 : memref<8x80xf32, #tpu.memory_space<vmem_shared>>) dst(%dma_wait3A_125 : memref<8x80xf32, #tpu.memory_space<hbm>>)
          tpu.yield
        }) : () -> ()
      } else {
      }
    }
    %scan3A_100 = arith.constant 79 : i32
    return
  }
}

module attributes {stable_mosaic.version = 14 : i64} {
  func.func @_tables_body(%arg0: i32, %arg1: i32, %arg2: memref<1000x128xf32, #tpu.memory_space<vmem>>, %arg3: memref<128x128xf32, #tpu.memory_space<vmem>>, %arg4: memref<1x128xf32, #tpu.memory_space<vmem>>, %arg5: memref<1x128x128xf32, #tpu.memory_space<vmem>>, %arg6: memref<1x128x128xf32, #tpu.memory_space<vmem>>, %arg7: memref<1x1x128xf32, #tpu.memory_space<vmem>>, %arg8: memref<1x1000x128xf32, #tpu.memory_space<vmem>>, %arg9: memref<1x1000x128xf32, #tpu.memory_space<vmem>>) attributes {dimension_semantics = [#tpu.dimension_semantics<arbitrary>, #tpu.dimension_semantics<arbitrary>], iteration_bounds = array<i64: 2, 10>, scalar_prefetch = 0 : i64, scratch_operands = 0 : i64, tpu.core_type = #tpu.core_type<tc>, window_params = [{transform_indices = @transform_0, window_bounds = array<i64: 1000, 128>}, {pipeline_mode = #tpu.pipeline_mode<synchronous>, transform_indices = @transform_1, window_bounds = array<i64: 128, 128>}, {pipeline_mode = #tpu.pipeline_mode<synchronous>, transform_indices = @transform_2, window_bounds = array<i64: 1, 128>}, {transform_indices = @transform_3, window_bounds = array<i64: 1, 128, 128>}, {transform_indices = @transform_4, window_bounds = array<i64: 1, 128, 128>}, {transform_indices = @transform_5, window_bounds = array<i64: 1, 1, 128>}, {transform_indices = @transform_6, window_bounds = array<i64: 1, 1000, 128>}, {transform_indices = @transform_7, window_bounds = array<i64: 1, 1000, 128>}]} {
    %get3A = arith.constant 0 : index
    %get3A_0 = arith.constant 0 : index
    %get3A_1 = vector.load %arg2[%get3A, %get3A_0] : memref<1000x128xf32, #tpu.memory_space<vmem>>, vector<1000x128xf32>
    %get3A_2 = arith.constant 0 : index
    %get3A_3 = arith.constant 0 : index
    %get3A_4 = vector.load %arg3[%get3A_2, %get3A_3] : memref<128x128xf32, #tpu.memory_space<vmem>>, vector<128x128xf32>
    %dot_general3A = arith.constant dense<0.000000e+00> : vector<1000x128xf32>
    %dot_general3A_5 = tpu.matmul %get3A_1, %get3A_4, %dot_general3A {dimension_numbers = #tpu.dot_dimension_numbers<[1], [0], [0], [1], [0, 0, 1, 1], [], []>, transpose_lhs_hint = false} : vector<1000x128xf32>, vector<128x128xf32>, vector<1000x128xf32> -> vector<1000x128xf32>
    %get3A_6 = arith.constant 0 : index
    %get3A_7 = arith.constant 0 : index
    %get3A_8 = vector.load %arg4[%get3A_6, %get3A_7] : memref<1x128xf32, #tpu.memory_space<vmem>>, vector<1x128xf32>
    %add3A = vector.broadcast %get3A_8 : vector<1x128xf32> to vector<1000x128xf32>
    %add3A_9 = arith.addf %dot_general3A_5, %add3A : vector<1000x128xf32>
    %get3A_10 = arith.constant 0 : index
    %get3A_11 = arith.constant 0 : index
    %get3A_12 = arith.constant 0 : index
    %get3A_13 = vector.load %arg5[%get3A_10, %get3A_11, %get3A_12] : memref<1x128x128xf32, #tpu.memory_space<vmem>>, vector<1x128x128xf32>
    %get3A_14 = vector.shape_cast %get3A_13 : vector<1x128x128xf32> to vector<128x128xf32>
    %dot_general3A_15 = arith.constant dense<0.000000e+00> : vector<1000x128xf32>
    %dot_general3A_16 = tpu.matmul %add3A_9, %get3A_14, %dot_general3A_15 {dimension_numbers = #tpu.dot_dimension_numbers<[1], [0], [0], [1], [0, 0, 1, 1], [], []>, transpose_lhs_hint = false} : vector<1000x128xf32>, vector<128x128xf32>, vector<1000x128xf32> -> vector<1000x128xf32>
    %swap3A = arith.constant 0 : index
    %swap3A_17 = arith.constant 0 : index
    %swap3A_18 = arith.constant 0 : index
    %swap3A_19 = vector.load %arg8[%swap3A, %swap3A_17, %swap3A_18] : memref<1x1000x128xf32, #tpu.memory_space<vmem>>, vector<1x1000x128xf32>
    %swap3A_20 = vector.shape_cast %swap3A_19 : vector<1x1000x128xf32> to vector<1000x128xf32>
    %swap3A_21 = vector.shape_cast %dot_general3A_16 : vector<1000x128xf32> to vector<1x1000x128xf32>
    tpu.vector_store %arg8[%swap3A, %swap3A_17, %swap3A_18], %swap3A_21 {strides = array<i32>} : memref<1x1000x128xf32, #tpu.memory_space<vmem>>, vector<1x1000x128xf32>,
    %get3A_22 = arith.constant 0 : index
    %get3A_23 = arith.constant 0 : index
    %get3A_24 = arith.constant 0 : index
    %get3A_25 = vector.load %arg6[%get3A_22, %get3A_23, %get3A_24] : memref<1x128x128xf32, #tpu.memory_space<vmem>>, vector<1x128x128xf32>
    %get3A_26 = vector.shape_cast %get3A_25 : vector<1x128x128xf32> to vector<128x128xf32>
    %dot_general3A_27 = arith.constant dense<0.000000e+00> : vector<1000x128xf32>
    %dot_general3A_28 = tpu.matmul %get3A_1, %get3A_26, %dot_general3A_27 {dimension_numbers = #tpu.dot_dimension_numbers<[1], [0], [0], [1], [0, 0, 1, 1], [], []>, transpose_lhs_hint = false} : vector<1000x128xf32>, vector<128x128xf32>, vector<1000x128xf32> -> vector<1000x128xf32>
    %get3A_29 = arith.constant 0 : index
    %get3A_30 = arith.constant 0 : index
    %get3A_31 = arith.constant 0 : index
    %get3A_32 = vector.load %arg7[%get3A_29, %get3A_30, %get3A_31] : memref<1x1x128xf32, #tpu.memory_space<vmem>>, vector<1x1x128xf32>
    %get3A_33 = vector.shape_cast %get3A_32 : vector<1x1x128xf32> to vector<1x128xf32>
    %add3A_34 = vector.broadcast %get3A_33 : vector<1x128xf32> to vector<1000x128xf32>
    %add3A_35 = arith.addf %dot_general3A_28, %add3A_34 : vector<1000x128xf32>
    %swap3A_36 = arith.constant 0 : index
    %swap3A_37 = arith.constant 0 : index
    %swap3A_38 = arith.constant 0 : index
    %swap3A_39 = vector.load %arg9[%swap3A_36, %swap3A_37, %swap3A_38] : memref<1x1000x128xf32, #tpu.memory_space<vmem>>, vector<1x1000x128xf32>
    %swap3A_40 = vector.shape_cast %swap3A_39 : vector<1x1000x128xf32> to vector<1000x128xf32>
    %swap3A_41 = vector.shape_cast %add3A_35 : vector<1000x128xf32> to vector<1x1000x128xf32>
    tpu.vector_store %arg9[%swap3A_36, %swap3A_37, %swap3A_38], %swap3A_41 {strides = array<i32>} : memref<1x1000x128xf32, #tpu.memory_space<vmem>>, vector<1x1000x128xf32>,
    return
  }
  func.func @transform_0(%arg0: i32, %arg1: i32) -> (i32, i32) {
    %c0_i32 = arith.constant 0 : i32
    %c0_i32_0 = arith.constant 0 : i32
    return %arg1, %c0_i32 : i32, i32
  }
  func.func @transform_1(%arg0: i32, %arg1: i32) -> (i32, i32) {
    %c0_i32 = arith.constant 0 : i32
    %c0_i32_0 = arith.constant 0 : i32
    %c0_i32_1 = arith.constant 0 : i32
    return %c0_i32, %c0_i32_0 : i32, i32
  }
  func.func @transform_2(%arg0: i32, %arg1: i32) -> (i32, i32) {
    %c0_i32 = arith.constant 0 : i32
    %c0_i32_0 = arith.constant 0 : i32
    %c0_i32_1 = arith.constant 0 : i32
    return %c0_i32, %c0_i32_0 : i32, i32
  }
  func.func @transform_3(%arg0: i32, %arg1: i32) -> (i32, i32, i32) {
    %c0_i32 = arith.constant 0 : i32
    %c0_i32_0 = arith.constant 0 : i32
    %c0_i32_1 = arith.constant 0 : i32
    return %arg0, %c0_i32, %c0_i32_0 : i32, i32, i32
  }
  func.func @transform_4(%arg0: i32, %arg1: i32) -> (i32, i32, i32) {
    %c0_i32 = arith.constant 0 : i32
    %c0_i32_0 = arith.constant 0 : i32
    %c0_i32_1 = arith.constant 0 : i32
    return %arg0, %c0_i32, %c0_i32_0 : i32, i32, i32
  }
  func.func @transform_5(%arg0: i32, %arg1: i32) -> (i32, i32, i32) {
    %c0_i32 = arith.constant 0 : i32
    %c0_i32_0 = arith.constant 0 : i32
    %c0_i32_1 = arith.constant 0 : i32
    return %arg0, %c0_i32, %c0_i32_0 : i32, i32, i32
  }
  func.func @transform_6(%arg0: i32, %arg1: i32) -> (i32, i32, i32) {
    %c0_i32 = arith.constant 0 : i32
    %c0_i32_0 = arith.constant 0 : i32
    return %arg0, %arg1, %c0_i32 : i32, i32, i32
  }
  func.func @transform_7(%arg0: i32, %arg1: i32) -> (i32, i32, i32) {
    %c0_i32 = arith.constant 0 : i32
    %c0_i32_0 = arith.constant 0 : i32
    return %arg0, %arg1, %c0_i32 : i32, i32, i32
  }
}

module attributes {stable_mosaic.version = 14 : i64} {
  func.func @_final_body(%arg0: i32, %arg1: memref<1000x80xf32, #tpu.memory_space<vmem>>, %arg2: memref<1000x80xf32, #tpu.memory_space<vmem>>, %arg3: memref<1000x128xf32, #tpu.memory_space<vmem>>, %arg4: memref<2x80x128xf32, #tpu.memory_space<vmem>>, %arg5: memref<2x80x128xf32, #tpu.memory_space<vmem>>, %arg6: memref<128x128xf32, #tpu.memory_space<vmem>>, %arg7: memref<1x128xf32, #tpu.memory_space<vmem>>, %arg8: memref<128x256xf32, #tpu.memory_space<vmem>>, %arg9: memref<1x256xf32, #tpu.memory_space<vmem>>, %arg10: memref<256x128xf32, #tpu.memory_space<vmem>>, %arg11: memref<1x128xf32, #tpu.memory_space<vmem>>, %arg12: memref<1x128xf32, #tpu.memory_space<vmem>>, %arg13: memref<1x128xf32, #tpu.memory_space<vmem>>, %arg14: memref<1x128xf32, #tpu.memory_space<vmem>>, %arg15: memref<1x128xf32, #tpu.memory_space<vmem>>, %arg16: memref<1000x128xf32, #tpu.memory_space<vmem>>) attributes {dimension_semantics = [#tpu.dimension_semantics<arbitrary>], iteration_bounds = array<i64: 10>, scalar_prefetch = 0 : i64, scratch_operands = 0 : i64, tpu.core_type = #tpu.core_type<tc>, window_params = [{transform_indices = @transform_0, window_bounds = array<i64: 1000, 80>}, {transform_indices = @transform_1, window_bounds = array<i64: 1000, 80>}, {transform_indices = @transform_2, window_bounds = array<i64: 1000, 128>}, {pipeline_mode = #tpu.pipeline_mode<synchronous>, transform_indices = @transform_3, window_bounds = array<i64: 2, 80, 128>}, {pipeline_mode = #tpu.pipeline_mode<synchronous>, transform_indices = @transform_4, window_bounds = array<i64: 2, 80, 128>}, {pipeline_mode = #tpu.pipeline_mode<synchronous>, transform_indices = @transform_5, window_bounds = array<i64: 128, 128>}, {pipeline_mode = #tpu.pipeline_mode<synchronous>, transform_indices = @transform_6, window_bounds = array<i64: 1, 128>}, {pipeline_mode = #tpu.pipeline_mode<synchronous>, transform_indices = @transform_7, window_bounds = array<i64: 128, 256>}, {pipeline_mode = #tpu.pipeline_mode<synchronous>, transform_indices = @transform_8, window_bounds = array<i64: 1, 256>}, {pipeline_mode = #tpu.pipeline_mode<synchronous>, transform_indices = @transform_9, window_bounds = array<i64: 256, 128>}, {pipeline_mode = #tpu.pipeline_mode<synchronous>, transform_indices = @transform_10, window_bounds = array<i64: 1, 128>}, {pipeline_mode = #tpu.pipeline_mode<synchronous>, transform_indices = @transform_11, window_bounds = array<i64: 1, 128>}, {pipeline_mode = #tpu.pipeline_mode<synchronous>, transform_indices = @transform_12, window_bounds = array<i64: 1, 128>}, {pipeline_mode = #tpu.pipeline_mode<synchronous>, transform_indices = @transform_13, window_bounds = array<i64: 1, 128>}, {pipeline_mode = #tpu.pipeline_mode<synchronous>, transform_indices = @transform_14, window_bounds = array<i64: 1, 128>}, {transform_indices = @transform_15, window_bounds = array<i64: 1000, 128>}]} {
    %get3A = arith.constant 0 : index
    %get3A_0 = arith.constant 0 : index
    %get3A_1 = vector.load %arg1[%get3A, %get3A_0] : memref<1000x80xf32, #tpu.memory_space<vmem>>, vector<1000x80xf32>
    %get3A_2 = arith.constant 0 : index
    %get3A_3 = arith.constant 0 : index
    %get3A_4 = vector.load %arg2[%get3A_2, %get3A_3] : memref<1000x80xf32, #tpu.memory_space<vmem>>, vector<1000x80xf32>
    %get3A_5 = arith.constant 0 : index
    %get3A_6 = arith.constant 0 : index
    %get3A_7 = arith.constant 0 : index
    %get3A_8 = vector.load %arg4[%get3A_5, %get3A_6, %get3A_7] : memref<2x80x128xf32, #tpu.memory_space<vmem>>, vector<1x80x128xf32>
    %get3A_9 = vector.shape_cast %get3A_8 : vector<1x80x128xf32> to vector<80x128xf32>
    %dot_general3A = arith.constant dense<0.000000e+00> : vector<1000x128xf32>
    %dot_general3A_10 = tpu.matmul %get3A_1, %get3A_9, %dot_general3A {dimension_numbers = #tpu.dot_dimension_numbers<[1], [0], [0], [1], [0, 0, 1, 1], [], []>, transpose_lhs_hint = false} : vector<1000x80xf32>, vector<80x128xf32>, vector<1000x128xf32> -> vector<1000x128xf32>
    %get3A_11 = arith.constant 1 : index
    %get3A_12 = arith.constant 0 : index
    %get3A_13 = arith.constant 0 : index
    %get3A_14 = vector.load %arg4[%get3A_11, %get3A_12, %get3A_13] : memref<2x80x128xf32, #tpu.memory_space<vmem>>, vector<1x80x128xf32>
    %get3A_15 = vector.shape_cast %get3A_14 : vector<1x80x128xf32> to vector<80x128xf32>
    %dot_general3A_16 = arith.constant dense<0.000000e+00> : vector<1000x128xf32>
    %dot_general3A_17 = tpu.matmul %get3A_4, %get3A_15, %dot_general3A_16 {dimension_numbers = #tpu.dot_dimension_numbers<[1], [0], [0], [1], [0, 0, 1, 1], [], []>, transpose_lhs_hint = false} : vector<1000x80xf32>, vector<80x128xf32>, vector<1000x128xf32> -> vector<1000x128xf32>
    %add3A = arith.addf %dot_general3A_10, %dot_general3A_17 : vector<1000x128xf32>
    %get3A_18 = arith.constant 0 : index
    %get3A_19 = arith.constant 0 : index
    %get3A_20 = arith.constant 0 : index
    %get3A_21 = vector.load %arg5[%get3A_18, %get3A_19, %get3A_20] : memref<2x80x128xf32, #tpu.memory_space<vmem>>, vector<1x80x128xf32>
    %get3A_22 = vector.shape_cast %get3A_21 : vector<1x80x128xf32> to vector<80x128xf32>
    %dot_general3A_23 = arith.constant dense<0.000000e+00> : vector<1000x128xf32>
    %dot_general3A_24 = tpu.matmul %get3A_1, %get3A_22, %dot_general3A_23 {dimension_numbers = #tpu.dot_dimension_numbers<[1], [0], [0], [1], [0, 0, 1, 1], [], []>, transpose_lhs_hint = false} : vector<1000x80xf32>, vector<80x128xf32>, vector<1000x128xf32> -> vector<1000x128xf32>
    %get3A_25 = arith.constant 1 : index
    %get3A_26 = arith.constant 0 : index
    %get3A_27 = arith.constant 0 : index
    %get3A_28 = vector.load %arg5[%get3A_25, %get3A_26, %get3A_27] : memref<2x80x128xf32, #tpu.memory_space<vmem>>, vector<1x80x128xf32>
    %get3A_29 = vector.shape_cast %get3A_28 : vector<1x80x128xf32> to vector<80x128xf32>
    %dot_general3A_30 = arith.constant dense<0.000000e+00> : vector<1000x128xf32>
    %dot_general3A_31 = tpu.matmul %get3A_4, %get3A_29, %dot_general3A_30 {dimension_numbers = #tpu.dot_dimension_numbers<[1], [0], [0], [1], [0, 0, 1, 1], [], []>, transpose_lhs_hint = false} : vector<1000x80xf32>, vector<80x128xf32>, vector<1000x128xf32> -> vector<1000x128xf32>
    %add3A_32 = arith.addf %dot_general3A_24, %dot_general3A_31 : vector<1000x128xf32>
    %max3A = arith.constant 1.000000e-30 : f32
    %max3A_33 = vector.broadcast %max3A : f32 to vector<1000x128xf32>
    %max3A_34 = arith.maximumf %add3A_32, %max3A_33 : vector<1000x128xf32>
    %div3A = arith.divf %add3A, %max3A_34 : vector<1000x128xf32>
    %get3A_35 = arith.constant 0 : index
    %get3A_36 = arith.constant 0 : index
    %get3A_37 = vector.load %arg6[%get3A_35, %get3A_36] : memref<128x128xf32, #tpu.memory_space<vmem>>, vector<128x128xf32>
    %dot_general3A_38 = arith.constant dense<0.000000e+00> : vector<1000x128xf32>
    %dot_general3A_39 = tpu.matmul %div3A, %get3A_37, %dot_general3A_38 {dimension_numbers = #tpu.dot_dimension_numbers<[1], [0], [0], [1], [0, 0, 1, 1], [], []>, transpose_lhs_hint = false} : vector<1000x128xf32>, vector<128x128xf32>, vector<1000x128xf32> -> vector<1000x128xf32>
    %get3A_40 = arith.constant 0 : index
    %get3A_41 = arith.constant 0 : index
    %get3A_42 = vector.load %arg7[%get3A_40, %get3A_41] : memref<1x128xf32, #tpu.memory_space<vmem>>, vector<1x128xf32>
    %add3A_43 = vector.broadcast %get3A_42 : vector<1x128xf32> to vector<1000x128xf32>
    %add3A_44 = arith.addf %dot_general3A_39, %add3A_43 : vector<1000x128xf32>
    %get3A_45 = arith.constant 0 : index
    %get3A_46 = arith.constant 0 : index
    %get3A_47 = vector.load %arg3[%get3A_45, %get3A_46] : memref<1000x128xf32, #tpu.memory_space<vmem>>, vector<1000x128xf32>
    %add3A_48 = arith.addf %add3A_44, %get3A_47 : vector<1000x128xf32>
    %get3A_49 = arith.constant 0 : index
    %get3A_50 = arith.constant 0 : index
    %get3A_51 = vector.load %arg12[%get3A_49, %get3A_50] : memref<1x128xf32, #tpu.memory_space<vmem>>, vector<1x128xf32>
    %get3A_52 = arith.constant 0 : index
    %get3A_53 = arith.constant 0 : index
    %get3A_54 = vector.load %arg13[%get3A_52, %get3A_53] : memref<1x128xf32, #tpu.memory_space<vmem>>, vector<1x128xf32>
    %reduce_sum3A = arith.constant dense<0.000000e+00> : vector<1000xf32>
    %reduce_sum3A_55 = vector.multi_reduction <add>, %add3A_48, %reduce_sum3A [1] : vector<1000x128xf32> to vector<1000xf32>
    %broadcast_in_dim3A = vector.shape_cast %reduce_sum3A_55 : vector<1000xf32> to vector<1000x1xf32>
    %div3A_56 = arith.constant 1.280000e+02 : f32
    %div3A_57 = vector.broadcast %div3A_56 : f32 to vector<1000x1xf32>
    %div3A_58 = arith.divf %broadcast_in_dim3A, %div3A_57 : vector<1000x1xf32>
    %sub3A = vector.broadcast %div3A_58 : vector<1000x1xf32> to vector<1000x128xf32>
    %sub3A_59 = arith.subf %add3A_48, %sub3A : vector<1000x128xf32>
    %integer_pow3A = arith.mulf %sub3A_59, %sub3A_59 : vector<1000x128xf32>
    %reduce_sum3A_60 = arith.constant dense<0.000000e+00> : vector<1000xf32>
    %reduce_sum3A_61 = vector.multi_reduction <add>, %integer_pow3A, %reduce_sum3A_60 [1] : vector<1000x128xf32> to vector<1000xf32>
    %broadcast_in_dim3A_62 = vector.shape_cast %reduce_sum3A_61 : vector<1000xf32> to vector<1000x1xf32>
    %div3A_63 = arith.constant 1.280000e+02 : f32
    %div3A_64 = vector.broadcast %div3A_63 : f32 to vector<1000x1xf32>
    %div3A_65 = arith.divf %broadcast_in_dim3A_62, %div3A_64 : vector<1000x1xf32>
    %sub3A_66 = vector.broadcast %div3A_58 : vector<1000x1xf32> to vector<1000x128xf32>
    %sub3A_67 = arith.subf %add3A_48, %sub3A_66 : vector<1000x128xf32>
    %add3A_68 = arith.constant 9.99999974E-6 : f32
    %add3A_69 = vector.broadcast %add3A_68 : f32 to vector<1000x1xf32>
    %add3A_70 = arith.addf %div3A_65, %add3A_69 : vector<1000x1xf32>
    %sqrt3A = math.sqrt %add3A_70 : vector<1000x1xf32>
    %div3A_71 = vector.broadcast %sqrt3A : vector<1000x1xf32> to vector<1000x128xf32>
    %div3A_72 = arith.divf %sub3A_67, %div3A_71 : vector<1000x128xf32>
    %mul3A = vector.broadcast %get3A_51 : vector<1x128xf32> to vector<1000x128xf32>
    %mul3A_73 = arith.mulf %div3A_72, %mul3A : vector<1000x128xf32>
    %add3A_74 = vector.broadcast %get3A_54 : vector<1x128xf32> to vector<1000x128xf32>
    %add3A_75 = arith.addf %mul3A_73, %add3A_74 : vector<1000x128xf32>
    %get3A_76 = arith.constant 0 : index
    %get3A_77 = arith.constant 0 : index
    %get3A_78 = vector.load %arg8[%get3A_76, %get3A_77] : memref<128x256xf32, #tpu.memory_space<vmem>>, vector<128x256xf32>
    %dot_general3A_79 = arith.constant dense<0.000000e+00> : vector<1000x256xf32>
    %dot_general3A_80 = tpu.matmul %add3A_75, %get3A_78, %dot_general3A_79 {dimension_numbers = #tpu.dot_dimension_numbers<[1], [0], [0], [1], [0, 0, 1, 1], [], []>, transpose_lhs_hint = false} : vector<1000x128xf32>, vector<128x256xf32>, vector<1000x256xf32> -> vector<1000x256xf32>
    %get3A_81 = arith.constant 0 : index
    %get3A_82 = arith.constant 0 : index
    %get3A_83 = vector.load %arg9[%get3A_81, %get3A_82] : memref<1x256xf32, #tpu.memory_space<vmem>>, vector<1x256xf32>
    %add3A_84 = vector.broadcast %get3A_83 : vector<1x256xf32> to vector<1000x256xf32>
    %add3A_85 = arith.addf %dot_general3A_80, %add3A_84 : vector<1000x256xf32>
    %mul3A_86 = arith.constant 5.000000e-01 : f32
    %mul3A_87 = vector.broadcast %mul3A_86 : f32 to vector<1000x256xf32>
    %mul3A_88 = arith.mulf %add3A_85, %mul3A_87 : vector<1000x256xf32>
    %mul3A_89 = arith.constant 0.707106769 : f32
    %mul3A_90 = vector.broadcast %mul3A_89 : f32 to vector<1000x256xf32>
    %mul3A_91 = arith.mulf %add3A_85, %mul3A_90 : vector<1000x256xf32>
    %erf3A = math.erf %mul3A_91 : vector<1000x256xf32>
    %add3A_92 = arith.constant 1.000000e+00 : f32
    %add3A_93 = vector.broadcast %add3A_92 : f32 to vector<1000x256xf32>
    %add3A_94 = arith.addf %add3A_93, %erf3A : vector<1000x256xf32>
    %mul3A_95 = arith.mulf %mul3A_88, %add3A_94 : vector<1000x256xf32>
    %get3A_96 = arith.constant 0 : index
    %get3A_97 = arith.constant 0 : index
    %get3A_98 = vector.load %arg10[%get3A_96, %get3A_97] : memref<256x128xf32, #tpu.memory_space<vmem>>, vector<256x128xf32>
    %dot_general3A_99 = arith.constant dense<0.000000e+00> : vector<1000x128xf32>
    %dot_general3A_100 = tpu.matmul %mul3A_95, %get3A_98, %dot_general3A_99 {dimension_numbers = #tpu.dot_dimension_numbers<[1], [0], [0], [1], [0, 0, 1, 1], [], []>, transpose_lhs_hint = false} : vector<1000x256xf32>, vector<256x128xf32>, vector<1000x128xf32> -> vector<1000x128xf32>
    %get3A_101 = arith.constant 0 : index
    %get3A_102 = arith.constant 0 : index
    %get3A_103 = vector.load %arg11[%get3A_101, %get3A_102] : memref<1x128xf32, #tpu.memory_space<vmem>>, vector<1x128xf32>
    %add3A_104 = vector.broadcast %get3A_103 : vector<1x128xf32> to vector<1000x128xf32>
    %add3A_105 = arith.addf %dot_general3A_100, %add3A_104 : vector<1000x128xf32>
    %add3A_106 = arith.addf %add3A_105, %add3A_75 : vector<1000x128xf32>
    %get3A_107 = arith.constant 0 : index
    %get3A_108 = arith.constant 0 : index
    %get3A_109 = vector.load %arg14[%get3A_107, %get3A_108] : memref<1x128xf32, #tpu.memory_space<vmem>>, vector<1x128xf32>
    %get3A_110 = arith.constant 0 : index
    %get3A_111 = arith.constant 0 : index
    %get3A_112 = vector.load %arg15[%get3A_110, %get3A_111] : memref<1x128xf32, #tpu.memory_space<vmem>>, vector<1x128xf32>
    %reduce_sum3A_113 = arith.constant dense<0.000000e+00> : vector<1000xf32>
    %reduce_sum3A_114 = vector.multi_reduction <add>, %add3A_106, %reduce_sum3A_113 [1] : vector<1000x128xf32> to vector<1000xf32>
    %broadcast_in_dim3A_115 = vector.shape_cast %reduce_sum3A_114 : vector<1000xf32> to vector<1000x1xf32>
    %div3A_116 = arith.constant 1.280000e+02 : f32
    %div3A_117 = vector.broadcast %div3A_116 : f32 to vector<1000x1xf32>
    %div3A_118 = arith.divf %broadcast_in_dim3A_115, %div3A_117 : vector<1000x1xf32>
    %sub3A_119 = vector.broadcast %div3A_118 : vector<1000x1xf32> to vector<1000x128xf32>
    %sub3A_120 = arith.subf %add3A_106, %sub3A_119 : vector<1000x128xf32>
    %integer_pow3A_121 = arith.mulf %sub3A_120, %sub3A_120 : vector<1000x128xf32>
    %reduce_sum3A_122 = arith.constant dense<0.000000e+00> : vector<1000xf32>
    %reduce_sum3A_123 = vector.multi_reduction <add>, %integer_pow3A_121, %reduce_sum3A_122 [1] : vector<1000x128xf32> to vector<1000xf32>
    %broadcast_in_dim3A_124 = vector.shape_cast %reduce_sum3A_123 : vector<1000xf32> to vector<1000x1xf32>
    %div3A_125 = arith.constant 1.280000e+02 : f32
    %div3A_126 = vector.broadcast %div3A_125 : f32 to vector<1000x1xf32>
    %div3A_127 = arith.divf %broadcast_in_dim3A_124, %div3A_126 : vector<1000x1xf32>
    %sub3A_128 = vector.broadcast %div3A_118 : vector<1000x1xf32> to vector<1000x128xf32>
    %sub3A_129 = arith.subf %add3A_106, %sub3A_128 : vector<1000x128xf32>
    %add3A_130 = arith.constant 9.99999974E-6 : f32
    %add3A_131 = vector.broadcast %add3A_130 : f32 to vector<1000x1xf32>
    %add3A_132 = arith.addf %div3A_127, %add3A_131 : vector<1000x1xf32>
    %sqrt3A_133 = math.sqrt %add3A_132 : vector<1000x1xf32>
    %div3A_134 = vector.broadcast %sqrt3A_133 : vector<1000x1xf32> to vector<1000x128xf32>
    %div3A_135 = arith.divf %sub3A_129, %div3A_134 : vector<1000x128xf32>
    %mul3A_136 = vector.broadcast %get3A_109 : vector<1x128xf32> to vector<1000x128xf32>
    %mul3A_137 = arith.mulf %div3A_135, %mul3A_136 : vector<1000x128xf32>
    %add3A_138 = vector.broadcast %get3A_112 : vector<1x128xf32> to vector<1000x128xf32>
    %add3A_139 = arith.addf %mul3A_137, %add3A_138 : vector<1000x128xf32>
    %swap3A = arith.constant 0 : index
    %swap3A_140 = arith.constant 0 : index
    %swap3A_141 = vector.load %arg16[%swap3A, %swap3A_140] : memref<1000x128xf32, #tpu.memory_space<vmem>>, vector<1000x128xf32>
    tpu.vector_store %arg16[%swap3A, %swap3A_140], %add3A_139 {strides = array<i32>} : memref<1000x128xf32, #tpu.memory_space<vmem>>, vector<1000x128xf32>,
    return
  }
  func.func @transform_0(%arg0: i32) -> (i32, i32) {
    %c0_i32 = arith.constant 0 : i32
    %c0_i32_0 = arith.constant 0 : i32
    return %arg0, %c0_i32 : i32, i32
  }
  func.func @transform_1(%arg0: i32) -> (i32, i32) {
    %add3A = arith.constant 10 : i32
    %add3A_0 = arith.addi %arg0, %add3A : i32
    %c0_i32 = arith.constant 0 : i32
    %c0_i32_1 = arith.constant 0 : i32
    return %add3A_0, %c0_i32 : i32, i32
  }
  func.func @transform_2(%arg0: i32) -> (i32, i32) {
    %c0_i32 = arith.constant 0 : i32
    %c0_i32_0 = arith.constant 0 : i32
    return %arg0, %c0_i32 : i32, i32
  }
  func.func @transform_3(%arg0: i32) -> (i32, i32, i32) {
    %c0_i32 = arith.constant 0 : i32
    %c0_i32_0 = arith.constant 0 : i32
    %c0_i32_1 = arith.constant 0 : i32
    %c0_i32_2 = arith.constant 0 : i32
    return %c0_i32, %c0_i32_0, %c0_i32_1 : i32, i32, i32
  }
  func.func @transform_4(%arg0: i32) -> (i32, i32, i32) {
    %c0_i32 = arith.constant 0 : i32
    %c0_i32_0 = arith.constant 0 : i32
    %c0_i32_1 = arith.constant 0 : i32
    %c0_i32_2 = arith.constant 0 : i32
    return %c0_i32, %c0_i32_0, %c0_i32_1 : i32, i32, i32
  }
  func.func @transform_5(%arg0: i32) -> (i32, i32) {
    %c0_i32 = arith.constant 0 : i32
    %c0_i32_0 = arith.constant 0 : i32
    %c0_i32_1 = arith.constant 0 : i32
    return %c0_i32, %c0_i32_0 : i32, i32
  }
  func.func @transform_6(%arg0: i32) -> (i32, i32) {
    %c0_i32 = arith.constant 0 : i32
    %c0_i32_0 = arith.constant 0 : i32
    %c0_i32_1 = arith.constant 0 : i32
    return %c0_i32, %c0_i32_0 : i32, i32
  }
  func.func @transform_7(%arg0: i32) -> (i32, i32) {
    %c0_i32 = arith.constant 0 : i32
    %c0_i32_0 = arith.constant 0 : i32
    %c0_i32_1 = arith.constant 0 : i32
    return %c0_i32, %c0_i32_0 : i32, i32
  }
  func.func @transform_8(%arg0: i32) -> (i32, i32) {
    %c0_i32 = arith.constant 0 : i32
    %c0_i32_0 = arith.constant 0 : i32
    %c0_i32_1 = arith.constant 0 : i32
    return %c0_i32, %c0_i32_0 : i32, i32
  }
  func.func @transform_9(%arg0: i32) -> (i32, i32) {
    %c0_i32 = arith.constant 0 : i32
    %c0_i32_0 = arith.constant 0 : i32
    %c0_i32_1 = arith.constant 0 : i32
    return %c0_i32, %c0_i32_0 : i32, i32
  }
  func.func @transform_10(%arg0: i32) -> (i32, i32) {
    %c0_i32 = arith.constant 0 : i32
    %c0_i32_0 = arith.constant 0 : i32
    %c0_i32_1 = arith.constant 0 : i32
    return %c0_i32, %c0_i32_0 : i32, i32
  }
  func.func @transform_11(%arg0: i32) -> (i32, i32) {
    %c0_i32 = arith.constant 0 : i32
    %c0_i32_0 = arith.constant 0 : i32
    %c0_i32_1 = arith.constant 0 : i32
    return %c0_i32, %c0_i32_0 : i32, i32
  }
  func.func @transform_12(%arg0: i32) -> (i32, i32) {
    %c0_i32 = arith.constant 0 : i32
    %c0_i32_0 = arith.constant 0 : i32
    %c0_i32_1 = arith.constant 0 : i32
    return %c0_i32, %c0_i32_0 : i32, i32
  }
  func.func @transform_13(%arg0: i32) -> (i32, i32) {
    %c0_i32 = arith.constant 0 : i32
    %c0_i32_0 = arith.constant 0 : i32
    %c0_i32_1 = arith.constant 0 : i32
    return %c0_i32, %c0_i32_0 : i32, i32
  }
  func.func @transform_14(%arg0: i32) -> (i32, i32) {
    %c0_i32 = arith.constant 0 : i32
    %c0_i32_0 = arith.constant 0 : i32
    %c0_i32_1 = arith.constant 0 : i32
    return %c0_i32, %c0_i32_0 : i32, i32
  }
  func.func @transform_15(%arg0: i32) -> (i32, i32) {
    %c0_i32 = arith.constant 0 : i32
    %c0_i32_0 = arith.constant 0 : i32
    return %arg0, %c0_i32 : i32, i32
  }
}

</mosaic_0001>

<sc_bundles>
// kernel: kernel.5.cloned.1.call-start
scs
__scs_entry_jumppad:
0x0: {  	(pc) =	sbr.rel $0x88, $3  }
0x1: {  	(tag) =	ssettag $0x0;
	lr =	simm.s32 $0x1  }
0x2: {  	[smem:$0x3F8D] =	sst lr;
	_ =	strace $0xD0000000  }
0x3: {  	_ = 	snop  }
0x4: {  	_ = 	snop  }
0x5: {  	_ = 	snop  }
0x6: {  	_ = 	snop  }
0x7: {  	_ = 	snop  }
__scs_overlays_trampoline_lowered:
0x8: {  	[smem:$0x3F9C] =	sst s0  }
0x9: {  	[smem:$0x3F9D] =	sst s1  }
0xa: {  	[smem:$0x3F9E] =	sst s2  }
0xb: {  	[smem:$0x3F9F] =	sst s3  }
0xc: {  	[smem:$0x3FA0] =	sst s4  }
0xd: {  	[smem:$0x3FA1] =	sst s5  }
0xe: {  	[smem:$0x3FA2] =	sst s6  }
0xf: {  	[smem:$0x3FA3] =	sst s7  }
0x10: {  	[smem:$0x3FA4] =	sst s8  }
0x11: {  	[smem:$0x3FA5] =	sst s9;
	s0 =	simm.s32 @!p0 $0x0  }
0x12: {  	s1 =	sld [smem:$0x3F8B];
	s0 =	simm.s32 @p0 $0x1  }
0x13: {  	[smem:$0x3FA6] =	sst s0;
	s0 =	simm.s32 @!p1 $0x0  }
0x14: {  	s2 =	sld [smem:$0x3F8A];
	s0 =	simm.s32 @p1 $0x1  }
0x15: {  	[smem:$0x3FA7] =	sst s0;
	s0 =	simm.s32 @!p2 $0x0  }
0x16: {  	s3 =	sld [smem:$0x3FDB];
	s0 =	simm.s32 @p2 $0x1  }
0x17: {  	s4 =	simm.s32 $0x1BF5;
	[smem:$0x3FA9] =	sst s0  }
0x18: {  	s0 =	sld [smem:$0x3F8C];
	_ =	swait.ge [sflag:s4], $0x0  }
0x19: {  	s7 =	sld [smem:$0x3F8D]  }
0x1a: {  	s8 =	sadd.s32 $0xFFFFE003, lr  }
0x1b: {  	s9 =	sadd.s32 $0xFFFFFEF7, lr;
	s5 =	simm.s32 $0xFFFFFFFF;
	p2 =	slt.u32 s8, $0xFFFFF086  }
0x1c: {  	p1 =	slt.u32 s9, $0xF7A;
	s5 =	simm.s32 @!p2 $0x0  }
0x1d: {  	s5 =	simm.s32 @p1 $0x1;
	p0 =	seq.s32 s7, s2  }
0x1e: {  	s7 =	smul.u32 @!p0 $0xF7A, s2;
	p2 =	seq.s32 @!p0 s5, $0x0  }
0x1f: {  	s9 =	smul.u32 $0xF7A, s1;
	s8 =	simm.s32 @!p0 $0x1BF5;
	p2 =	por !p2, p0  }
0x20: {  	[sflag:s8] =	ssyncset.s32 @!p0 $0xFFFFF086;
	s6 =	sadd.s32 @!p0 s3, s7;
	s7 =	simm.s32 @!p0 $0x108  }
0x21: {  	s3 =	sadd.s32 s3, s9;
	s6 =	sadd.s32 @!p0 $0x88, s6;
	s7 =	simm.s32 @p2 $0x1082  }
0x22: {  	[simem:s7], [sflag:s8] =	dma.local @!p0 [hbm:s6], $0xF7A  }
0x23: {  	s9 =	sor.u32 $0xD0000000, s2;
	s6 =	simm.s32 $0x108;
	_ =	swait.ge @!p0 [sflag:s8], $0x0  }
0x24: {  	s3 =	sadd.s32 $0x88, s3;
	s6 =	simm.s32 @!p1 $0x1082;
	[sflag:s4] =	ssyncset.s32 $0xFFFFF086  }
0x25: {  	[simem:s6], [sflag:s4] =	dma.local [hbm:s3], $0xF7A  }
0x26: {  	[smem:$0x3F8D] =	sst s1;
	(tag) =	ssettag s2;
	_ =	strace s9  }
0x27: {  	s1 =	sld [smem:$0x3F9D]  }
0x28: {  	s2 =	sld [smem:$0x3F9E]  }
0x29: {  	s4 =	sld [smem:$0x3FA0]  }
0x2a: {  	p0 =	seq.s32 s5, $0x0;
	s5 =	sld [smem:$0x3FA1]  }
0x2b: {  	s6 =	sld [smem:$0x3FA2]  }
0x2c: {  	s7 =	sld [smem:$0x3FA3]  }
0x2d: {  	s3 =	simm.s32 $0x108;
	s8 =	sld [smem:$0x3FA4]  }
0x2e: {  	s3 =	simm.s32 @!p0 $0x1082;
	s9 =	sld [smem:$0x3FA5]  }
0x2f: {  	lr =	sadd.s32 s0, s3;
	s0 =	sld [smem:$0x3F9C]  }
0x30: {  	s3 =	sld [smem:$0x3F9F]  }
0x31: {  	[smem:$0x3FA8] =	sst s10  }
0x32: {  	s10 =	sld [smem:$0x3FA6];
	_ =	sdelay $0x3  }
0x33: {  	p0 =	seq.s32 s10, $0x1;
	s10 =	sld [smem:$0x3FA8];
	_ =	sdelay $0x3  }
0x34: {  	[smem:$0x3FA8] =	sst s10  }
0x35: {  	s10 =	sld [smem:$0x3FA7];
	_ =	sdelay $0x3  }
0x36: {  	p1 =	seq.s32 s10, $0x1;
	s10 =	sld [smem:$0x3FA8];
	_ =	sdelay $0x3  }
0x37: {  	[smem:$0x3FA8] =	sst s10  }
0x38: {  	s10 =	sld [smem:$0x3FA9]  }
0x39: {  	_ = 	snop;
	(pc) =	sbr.ind lr, $3  }
0x3a: {  	_ = 	snop  }
0x3b: {  	_ = 	snop  }
0x3c: {  	p2 =	seq.s32 s10, $0x1;
	s10 =	sld [smem:$0x3FA8]  }
0x3d: {  	_ =	shalt  }
0x3e: {  	_ =	shalt  }
0x3f: {  	_ =	shalt  }
0x40: {  	_ =	shalt  }
0x41: {  	_ =	shalt  }
0x42: {  	_ =	shalt  }
0x43: {  	_ =	shalt  }
0x44: {  	_ =	shalt  }
0x45: {  	_ =	shalt  }
0x46: {  	_ =	shalt  }
0x47: {  	_ =	shalt  }
0x48: {  	_ =	shalt  }
0x49: {  	_ =	shalt  }
0x4a: {  	_ =	shalt  }
0x4b: {  	_ =	shalt  }
0x4c: {  	_ =	shalt  }
0x4d: {  	_ =	shalt  }
0x4e: {  	_ =	shalt  }
0x4f: {  	_ =	shalt  }
0x50: {  	_ =	shalt  }
0x51: {  	_ =	shalt  }
0x52: {  	_ =	shalt  }
0x53: {  	_ =	shalt  }
0x54: {  	_ =	shalt  }
0x55: {  	_ =	shalt  }
0x56: {  	_ =	shalt  }
0x57: {  	_ =	shalt  }
0x58: {  	_ =	shalt  }
0x59: {  	_ =	shalt  }
0x5a: {  	_ =	shalt  }
0x5b: {  	_ =	shalt  }
0x5c: {  	_ =	shalt  }
0x5d: {  	_ =	shalt  }
0x5e: {  	_ =	shalt  }
0x5f: {  	_ =	shalt  }
0x60: {  	_ =	shalt  }
0x61: {  	_ =	shalt  }
0x62: {  	_ =	shalt  }
0x63: {  	_ =	shalt  }
0x64: {  	_ =	shalt  }
0x65: {  	_ =	shalt  }
0x66: {  	_ =	shalt  }
0x67: {  	_ =	shalt  }
0x68: {  	_ =	shalt  }
0x69: {  	_ =	shalt  }
0x6a: {  	_ =	shalt  }
0x6b: {  	_ =	shalt  }
0x6c: {  	_ =	shalt  }
0x6d: {  	_ =	shalt  }
0x6e: {  	_ =	shalt  }
0x6f: {  	_ =	shalt  }
0x70: {  	_ =	shalt  }
0x71: {  	_ =	shalt  }
0x72: {  	_ =	shalt  }
0x73: {  	_ =	shalt  }
0x74: {  	_ =	shalt  }
0x75: {  	_ =	shalt  }
0x76: {  	_ =	shalt  }
0x77: {  	_ =	shalt  }
0x78: {  	_ =	shalt  }
0x79: {  	_ =	shalt  }
0x7a: {  	_ =	shalt  }
0x7b: {  	_ =	shalt  }
0x7c: {  	_ =	shalt  }
0x7d: {  	_ =	shalt  }
0x7e: {  	_ =	shalt  }
0x7f: {  	_ =	shalt  }
0x80: {  	_ =	shalt  }
0x81: {  	_ =	shalt  }
0x82: {  	_ =	shalt  }
0x83: {  	_ =	shalt  }
0x84: {  	_ =	shalt  }
0x85: {  	_ =	shalt  }
0x86: {  	_ =	shalt  }
0x87: {  	_ =	shalt  }
.Lfunc_end0:
.L_simem_size_0:
called_computation_lowered:
.L_overlay_start_0:
0x88: {  	s2 =	sld [smem:$0x3FD9]  }
0x89: {  	s3 =	sld [smem:$0x3FFE];
	_ =	sdelay $0x1  }
0x8a: {  	s1 =	srdreg.scid  }
0x8b: {  	s0 =	sand.u32 $0x1, s1  }
0x8c: {  	s14 =	sshll.u32 s0, $0xA;
	s2 =	sadd.s32 s3, s2  }
0x8d: {  	s2 =	sadd.s32 s2, s14  }
0x8e: {  	[smem:$0x3FB4] =	sst s2  }
0x8f: {  	_ = 	snop  }
0x90: {  	s2 =	sld [smem:$0x3FD0];
	_ =	sdelay $0x2  }
0x91: {  	s15 =	simm.s32 $0xA;
	s4 =	simm.s32 $0x10  }
0x92: {  	[smem:s4], [sflag:s15] =	dma.local [hbm:s2], $0x1  }
0x93: {  	_ =	swait.eq [sflag:s15], $0x1  }
0x94: {  	[sflag:s15] =	ssyncset.done $0x0  }
0x95: {  	s16 =	sld [smem:$0x10];
	[sflag:s15] =	ssyncadd.s32 $0xFFFFFFFF  }
0x96: {  	s17 =	sld [smem:$0x11];
	(tm) =	ssettm $0x1  }
0x97: {  	s18 =	sld [smem:$0x3FFB];
	_ =	sdelay $0x3  }
0x98: {  	_ =	strace s18  }
0x99: {  	s4 =	sld [smem:$0x3FFC];
	_ =	sdelay $0x3  }
0x9a: {  	_ =	strace s4  }
0x9b: {  	s4 =	sld [smem:$0x3FFD];
	_ =	sdelay $0x3  }
0x9c: {  	_ =	strace s4  }
0x9d: {  	_ =	strace $0x8FFFFFFF  }
0x9e: {  	s19 =	sld [smem:$0x3FDB];
	_ =	sdelay $0x1  }
0x9f: {  	s5 =	simm.s32 $_scs_section_size  }
0xa0: {  	s6 =	simm.s32 $_size__tile_overlayer_lowered;
	s7 =	simm.s32 $_tile_overlayer_lowered  }
0xa1: {  	s22 =	simm.s32 $0x1BFF;
	s21 =	sshll.u32 s7, $0x1;
	s4 =	sadd.s32 s5, s19  }
0xa2: {  	s8 =	simm.s32 $0x0;
	s20 =	sshll.u32 s6, $0x1;
	s6 =	sadd.s32 s21, s4  }
0xa3: {  	[timem:s8], [sflag:s22] =	dma.local [hbm:s6], s20  }
0xa4: {  	_ =	swait.ge [sflag:s22], s20  }
0xa5: {  	s5 =	ssub.s32 $0x0, s20;
	[sflag:s22] =	ssyncset.done $0x0  }
0xa6: {  	[sflag:s22] =	ssyncadd.s32 s5;
	_ =	sdelay $0x1  }
0xa7: {  	s23 =	simm.s32 $0x1B8B  }
0xa8: {  	_ =	swait.ge [sflag:s23], $0x1  }
0xa9: {  	[sflag:s23] =	ssyncset.done $0x0  }
0xaa: {  	s25 =	simm.s32 $0x1B8E;
	s24 =	sld [smem:$0x3FFE];
	[sflag:s23] =	ssyncadd.s32 $0xFFFFFFFF  }
0xab: {  	s26 =	simm.s32 $execute0_lowered;
	[smem:$0x3FD2] =	sst s25  }
0xac: {  	s6 =	sshll.u32 s26, $0x1;
	_ =	strace $0x80000046;
	[dreg:$0x1] =	wrdreg $0xFFFFFFFF  }
0xad: {  	s28 =	simm.s32 $_size_execute0_lowered;
	s4 =	sadd.s32 s4, s6;
	[dreg:$0x0] =	wrdreg $0x0  }
0xae: {  	s6 =	sshll.u32 s28, $0x1;
	[dreg:$0x2] =	wrdreg s4  }
0xaf: {  	[dreg:$0x3] =	wrdreg s6  }
0xb0: {  	[dreg:$0x4] =	wrdreg $0xC0  }
0xb1: {  	_ =	task [dreg:s8], $0x5FFFF  }
0xb2: {  	[dreg:$0x1] =	wrdreg $0xFFFFFFFF  }
0xb3: {  	[dreg:$0x0] =	wrdreg $0x60  }
0xb4: {  	[dreg:$0x2] =	wrdreg s24  }
0xb5: {  	[dreg:$0x3] =	wrdreg s16  }
0xb6: {  	[dreg:$0x4] =	wrdreg s17  }
0xb7: {  	[dreg:$0x5] =	wrdreg $0xC4E00  }
0xb8: {  	[dreg:$0x6] =	wrdreg $0x9  }
0xb9: {  	_ =	task.clear_ibuf [dreg:s8], $0x7FFFF;
	_ =	strace $0x90000046  }
0xba: {  	s29 =	simm.s32 $0x9;
	_ =	strace $0x80000048  }
0xbb: {  	_ =	swait.ge [sflag:s29], $0x1  }
0xbc: {  	[sflag:s29] =	ssyncadd.s32 $0xFFFFFFFF  }
0xbd: {  	_ =	strace $0x90000048  }
0xbe: {  	_ =	sfence  }
0xbf: {  	s30 =	sld [smem:$0x0];
	_ =	sdelay $0x2  }
0xc0: {  	s31 =	sshll.u32 s1, $0xD;
	s1 =	sshrl.u32 s1, $0x2  }
0xc1: {  	s3 =	sand.u32 $0x4000, s31;
	s1 =	sadd.s32 s1, s30  }
0xc2: {  	s0 =	sor.u32 s3, s0;
	s1 =	sshll.u32 s1, $0x11  }
0xc3: {  	s0 =	sor.u32 s1, s0  }
0xc4: {  	s0 =	sadd.s32 $0x8F2B, s0  }
0xc5: {  	[sflag:s0] =	ssyncadd.remote.s32 $0x1  }
0xc6: {  	_ =	sfence.sel $0xFFFF  }
0xc7: {  	[dreg:$0x0] =	wrdreg $0xFFFFFFFF;
	(pc) =	sbr.abs _section_cstart, $3  }
0xc8: {  	[dreg:$0x1] =	wrdreg $0xFFFFFFFF  }
0xc9: {  	_ =	task.clear_ibuf [dreg:s8], $0x2FFFF;
	_ =	strace $0x9FFFFFFF  }
0xca: {  	(tm) =	ssettm $0x7FFFFFFF  }
0xcb: {  	_ =	shalt  }
tec
execute0_lowered:
.L_overlay_start_1:
0x0: {  	(tag) =	ssettag $0x1  }
0x1: {  	s0 =	rddreg [dreg:$0x0]  }
0x2: {  	s1 =	rddreg [dreg:$0x1]  }
0x3: {  	s2 =	rddreg [dreg:$0x2]  }
0x4: {  	s3 =	rddreg [dreg:$0x3];
	s4 =	simm.s32 $0x0;
	s5 =	srdreg.scid  }
0x5: {  	s29 =	simm.s32 $0xF0;
	s31 =	simm.s32 $0x2;
	s10 =	sand.u32 $0x1, s5  }
0x6: {  	s28 =	simm.s32 $0x5;
	s5 =	stileid.u32;
	s11 =	smul.u32 $0x186A0, s10  }
0x7: {  	[smem:$0x7FF] =	sst s4;
	s6 =	sadd.s32 $0x5AE00, s0;
	s13 =	smul.u32 $0x4E20, s5  }
0x8: {  	s7 =	sadd.s32 $0xCC00, s0;
	s8 =	sadd.s32 $0x2E00, s0;
	s14 =	smul.u32 $0x9C40, s5  }
0x9: {  	s9 =	sadd.s32 $0xA9000, s0;
	s12 =	ssub.s32 $0x2, s10;
	s10 =	smul.u32 $0x2710, s10  }
0xa: {  	_ =	strace $0x80000047;
	s23 =	smul.u32 $0xA00, s5;
	s16 =	sshrl.u32 s12, $0x1  }
0xb: {  	s25 =	smul.u32 $0x50, s5;
	s0 =	sadd.s32 s11, s0;
	s11 =	ssub.s32 s12, s16  }
0xc: {  	s17 =	sshrl.u32 s13, $0x3;
	s18 =	sadd.s32 $0x50, s13;
	s19 =	sadd.s32 s2, s14  }
0xd: {  	s16 =	sadd.s32 $0xA0, s13;
	s26 =	sshrl.u32 s23, $0x2;
	v0 =	vmov s10;
	s10 =	simm.s32 $0xABE0  }
0xe: {  	s15 =	sadd.s32 s8, s17;
	s12 =	sadd.s32 s1, s17;
	[dreg:$0x7] =	wrdreg s19  }
0xf: {  	s20 =	sshrl.u32 s18, $0x3;
	s22 =	sshll.u32 s18, $0x1;
	[dreg:$0x5] =	wrdreg s15  }
0x10: {  	s17 =	sadd.s32 $0xF0, s13;
	s11 =	smax.u32 s11, $0x1;
	[dreg:$0x6] =	wrdreg s12  }
0x11: {  	s30 =	sadd.s32 s26, s3;
	s0 =	sadd.s32 s25, s0;
	[dreg:$0xb] =	wrdreg s11  }
0x12: {  	s25 =	simm.s32 $0x79E0;
	s21 =	sadd.s32 s8, s20;
	[dreg:$0xc] =	wrdreg s30  }
0x13: {  	s26 =	simm.s32 $0x3;
	s12 =	sadd.s32 s1, s20;
	[dreg:$0x8] =	wrdreg s21  }
0x14: {  	s13 =	simm.s32 $0x6;
	s24 =	sadd.s32 s2, s22;
	[dreg:$0x9] =	wrdreg s12  }
0x15: {  	s0 =	sadd.s32 $0xA9200, s0;
	s22 =	simm.s32 $0x29E0;
	[dreg:$0xa] =	wrdreg s24  }
0x16: {  	vm0 =	vmmov $0x1;
	s11 =	simm.s32 $0x7;
	s15 =	simm.s32 $0x0;
	[dreg:$0xd] =	wrdreg s0  }
0x17: {  	vm1 =	vcmask $0x310;
	vm2 =	vcmask $0x710;
	vm3 =	vcmask $0xB10;
	s24 =	simm.s32 $0x50;
	s0 =	simm.s32 $0x190;
	s12 =	simm.s32 $0x4  }
.LBB2_1:
0x18: {  	s14 =	sadd.s32 $0x0, s5  }
0x19: {  	[dreg:$0xe] =	wrdreg s15;
	p0 =	sgt.u32 s14, $0x4E1  }
0x1a: {  	s20 =	rddreg [dreg:$0xc];
	s14 =	sshll.u32 @!p0 s5, $0x6  }
0x1b: {  	s15 =	sshrl.u32 @!p0 s20, $0x3;
	s18 =	simm.s32 @!p0 $0x7;
	s14 =	sor.u32 @!p0 $0x1C07, s14  }
0x1c: {  	[spmem:s15], [sflag:s14] =	dma.local @!p0 [hbm:s9], $0x50  }
0x1d: {  	s19 =	sadd.s32 $0x10, s5;
	_ =	swait.ge @!p0 [sflag:s18], $0x50  }
0x1e: {  	s15 =	simm.s32 $0x20;
	s14 =	sadd.s32 $0x2800, s20;
	[sflag:s18] =	ssyncset.done @!p0 $0x0  }
.LBB2_2:
0x1f: {  	[sflag:s18] =	ssyncadd.s32 @!p0 $0xFFFFFFB0  }
0x20: {  	p0 =	sgt.u32 s19, $0x4E1;
	s19 =	smov.u32 s15;
	s15 =	sadd.s32 $0x10, s15  }
0x21: {  	p1 =	sne.s32 s15, $0x4F0  }
.Ltmp0:
0x22: {  	s18 =	sshll.u32 @!p0 s5, $0x6;
	s20 =	sshrl.u32 @!p0 s14, $0x3;
	(pc) =	sbr.rel @p1 .LBB2_2-.Ltmp0, $4  }
0x23: {  	s23 =	sor.u32 @!p0 $0x1C07, s18;
	s18 =	simm.s32 @!p0 $0x7  }
0x24: {  	[spmem:s20], [sflag:s23] =	dma.local @!p0 [hbm:s9], $0x50  }
0x25: {  	_ =	swait.ge @!p0 [sflag:s18], $0x50  }
0x26: {  	s19 =	sadd.s32 s19, s5;
	s14 =	sadd.s32 $0x2800, s14;
	[sflag:s18] =	ssyncset.done @!p0 $0x0  }
0x27: {  	p1 =	sgt.u32 s19, $0x4E1  }
0x28: {  	[sflag:s18] =	ssyncadd.s32 @!p0 $0xFFFFFFB0;
	s15 =	sshll.u32 @!p1 s5, $0x6  }
0x29: {  	s14 =	sshrl.u32 @!p1 s14, $0x3;
	s18 =	simm.s32 @!p1 $0x7;
	s15 =	sor.u32 @!p1 $0x1C07, s15  }
0x2a: {  	[spmem:s14], [sflag:s15] =	dma.local @!p1 [hbm:s9], $0x50  }
0x2b: {  	_ =	swait.ge @!p1 [sflag:s18], $0x50  }
0x2c: {  	[sflag:s18] =	ssyncset.done @!p1 $0x0  }
0x2d: {  	[sflag:s18] =	ssyncadd.s32 @!p1 $0xFFFFFFB0  }
0x2e: {  	[bflag:$0x0] =	sbarrier.arrive $0xFFFF  }
0x2f: {  	s14 =	simm.s32 $0x0;
	s23 =	rddreg [dreg:$0x5]  }
0x30: {  	[tilespmem:s14], [sflag:$0x1] =	stream.linear.gather [hbm4b:s23+s14], $0x50, $0x38;
	[tilespmem:$0x18830] =	vst v63  }
0x31: {  	s18 =	simm.s32 $0xA0;
	s30 =	rddreg [dreg:$0x6]  }
0x32: {  	[tilespmem:s18], [sflag:$0x1] =	stream.linear.gather [hbm4b:s30+s14], $0x50, $0x38;
	[tilespmem:$0x18830] =	vst v63  }
0x33: {  	s20 =	simm.s32 $0xA1E0;
	s21 =	simm.s32 $0x1;
	s19 =	rddreg [dreg:$0x7]  }
0x34: {  	[tilespmem:s20], [sflag:$0x1] =	stream.linear.gather [hbm4b:s19+s14], $0x500, $0x38;
	[tilespmem:$0x18830] =	vst v63  }
0x35: {  	_ =	swait.ge [sflag:s21], $0x50  }
0x36: {  	[sflag:s21] =	ssyncset.done $0x0  }
0x37: {  	[sflag:s21] =	ssyncadd.s32 $0xFFFFFFB0  }
0x38: {  	_ =	swait.ge [sflag:s21], $0x50  }
0x39: {  	[sflag:s21] =	ssyncset.done $0x0  }
0x3a: {  	[sflag:s21] =	ssyncadd.s32 $0xFFFFFFB0  }
0x3b: {  	_ =	swait.ge [sflag:s21], $0x500  }
0x3c: {  	[sflag:s21] =	ssyncset.done $0x0  }
0x3d: {  	[sflag:s21] =	ssyncadd.s32 $0xFFFFFB00  }
0x3e: {  	v1 =	vld [tilespmem:$0x0]  }
0x3f: {  	v2 =	vld [tilespmem:$0xA0]  }
0x40: {  	v3 =	vld [tilespmem:$0x10]  }
0x41: {  	v4 =	vld [tilespmem:$0xB0]  }
0x42: {  	v5 =	vld [tilespmem:$0x20]  }
0x43: {  	v6 =	vld [tilespmem:$0xC0];
	v1 =	vadd.s32 v0, v1  }
0x44: {  	[tilespmem:$0x140] =	vst v1;
	v1 =	vadd.s32 v0, v2;
	v2 =	vld [tilespmem:$0x30]  }
0x45: {  	[tilespmem:$0xA0] =	vst v1;
	v1 =	vadd.s32 v0, v3;
	v3 =	vld [tilespmem:$0xD0]  }
0x46: {  	v62 =	vld [tilespmem:$0x40];
	[tilespmem:$0x150] =	vst v1;
	v1 =	vadd.s32 v0, v4  }
0x47: {  	v63 =	vld [tilespmem:$0xE0];
	[tilespmem:$0xB0] =	vst v1;
	v1 =	vadd.s32 v0, v5  }
0x48: {  	[tilespmem:$0x160] =	vst v1;
	v1 =	vadd.s32 v0, v6  }
0x49: {  	[tilespmem:$0xC0] =	vst v1;
	v1 =	vadd.s32 v0, v2  }
0x4a: {  	[tilespmem:$0x170] =	vst v1;
	v1 =	vadd.s32 v0, v3  }
0x4b: {  	[tilespmem:$0xD0] =	vst v1;
	v1 =	vadd.s32 v0, v62  }
0x4c: {  	[tilespmem:$0x180] =	vst v1;
	v1 =	vadd.s32 v0, v63  }
0x4d: {  	s23 =	simm.s32 $0x140;
	s30 =	simm.s32 $0x1E0;
	[tilespmem:$0xE0] =	vst v1  }
0x4e: {  	[tilespmem:s30], [sflag:$0x3] =	stream.indirect.gather [hbm4b:s6+s24], $0x80, s23, s24, $0xb8;
	[tilespmem:$0x18830] =	vst v63  }
0x4f: {  	s19 =	simm.s32 $0x51E0  }
0x50: {  	[tilespmem:s19], [sflag:$0x5] =	stream.indirect.gather [hbm4b:s7+s24], $0x80, s18, s24, $0xb8;
	[tilespmem:$0x18830] =	vst v63  }
0x51: {  	s20 =	rddreg [dreg:$0x8]  }
0x52: {  	[tilespmem:s24], [sflag:$0x2] =	stream.linear.gather [hbm4b:s20+s14], $0x50, $0x38;
	[tilespmem:$0x18830] =	vst v63  }
0x53: {  	s21 =	rddreg [dreg:$0x9]  }
0x54: {  	[tilespmem:s29], [sflag:$0x2] =	stream.linear.gather [hbm4b:s21+s14], $0x50, $0x38;
	[tilespmem:$0x18830] =	vst v63  }
0x55: {  	s23 =	rddreg [dreg:$0xa];
	s30 =	simm.s32 $0xA6E0  }
0x56: {  	[tilespmem:s30], [sflag:$0x2] =	stream.linear.gather [hbm4b:s23+s14], $0x500, $0x38;
	[tilespmem:$0x18830] =	vst v63  }
.LBB2_4:
0x57: {  	_ =	swait.ge [sflag:s31], $0x50  }
0x58: {  	[sflag:s31] =	ssyncset.done $0x0  }
0x59: {  	[sflag:s31] =	ssyncadd.s32 $0xFFFFFFB0  }
0x5a: {  	_ =	swait.ge [sflag:s31], $0x50  }
0x5b: {  	[sflag:s31] =	ssyncset.done $0x0  }
0x5c: {  	[sflag:s31] =	ssyncadd.s32 $0xFFFFFFB0  }
0x5d: {  	_ =	swait.ge [sflag:s31], $0x500  }
0x5e: {  	[sflag:s31] =	ssyncset.done $0x0  }
0x5f: {  	[sflag:s31] =	ssyncadd.s32 $0xFFFFFB00  }
0x60: {  	v1 =	vld [tilespmem:$0x50]  }
0x61: {  	v2 =	vld [tilespmem:$0xF0]  }
0x62: {  	v3 =	vld [tilespmem:$0x60]  }
0x63: {  	v4 =	vld [tilespmem:$0x100]  }
0x64: {  	v5 =	vld [tilespmem:$0x70]  }
0x65: {  	v6 =	vld [tilespmem:$0x110];
	v1 =	vadd.s32 v0, v1  }
0x66: {  	[tilespmem:$0x190] =	vst v1;
	v1 =	vadd.s32 v0, v2;
	v2 =	vld [tilespmem:$0x80]  }
0x67: {  	[tilespmem:$0xF0] =	vst v1;
	v1 =	vadd.s32 v0, v3;
	v3 =	vld [tilespmem:$0x120]  }
0x68: {  	[tilespmem:$0x1A0] =	vst v1;
	v1 =	vadd.s32 v0, v4;
	v4 =	vld [tilespmem:$0x90]  }
0x69: {  	[tilespmem:$0x100] =	vst v1;
	v1 =	vadd.s32 v0, v5;
	v5 =	vld [tilespmem:$0x130]  }
0x6a: {  	[tilespmem:$0x1B0] =	vst v1;
	v1 =	vadd.s32 v0, v6  }
0x6b: {  	[tilespmem:$0x110] =	vst v1;
	v1 =	vadd.s32 v0, v2  }
0x6c: {  	[tilespmem:$0x1C0] =	vst v1;
	v1 =	vadd.s32 v0, v3  }
0x6d: {  	[tilespmem:$0x120] =	vst v1;
	v1 =	vadd.s32 v0, v4  }
0x6e: {  	[tilespmem:$0x1D0] =	vst v1;
	v1 =	vadd.s32 v0, v5  }
0x6f: {  	[tilespmem:$0x130] =	vst v1  }
0x70: {  	[tilespmem:s22], [sflag:$0x4] =	stream.indirect.gather [hbm4b:s6+s24], $0x80, s0, s24, $0xb8;
	[tilespmem:$0x18830] =	vst v63  }
0x71: {  	_ = 	snop  }
0x72: {  	[tilespmem:s25], [sflag:$0x6] =	stream.indirect.gather [hbm4b:s7+s24], $0x80, s29, s24, $0xb8;
	[tilespmem:$0x18830] =	vst v63  }
0x73: {  	_ =	swait.ge [sflag:s26], $0x2800  }
0x74: {  	[sflag:s26] =	ssyncset.done $0x0  }
0x75: {  	[sflag:s26] =	ssyncadd.s32 $0xFFFFD800  }
0x76: {  	_ =	swait.ge [sflag:s28], $0x2800  }
0x77: {  	[sflag:s28] =	ssyncset.done $0x0  }
0x78: {  	[sflag:s28] =	ssyncadd.s32 $0xFFFFD800  }
0x79: {  	v1 =	vld [tilespmem:$0xA1E0]  }
0x7a: {  	v2 =	vld [tilespmem:$0x1E0]  }
0x7b: {  	v3 =	vld [tilespmem:$0x220]  }
0x7c: {  	v4 =	vld [tilespmem:$0x51E0];
	_ =	sdelay $0x4  }
0x7d: {  	v5 =	vld [tilespmem:$0x1F0];
	v2 =	vmul.f32 v4, v2;
	v3 =	vmul.f32 v3, v1  }
0x7e: {  	v6 =	vld [tilespmem:$0x51F0]  }
0x7f: {  	v7 =	vld [tilespmem:$0x240];
	v2 =	vadd.f32 v2, v3  }
0x80: {  	v4 =	vld [tilespmem:$0x230]  }
0x81: {  	v3 =	vld [tilespmem:$0x200];
	(xrf2) =	vadd.scan.msk.f32 $0xffff, v2  }
0x82: {  	v2 =	vld [tilespmem:$0x5200]  }
0x83: {  	v8 =	vld [tilespmem:$0x210]  }
0x84: {  	v9 =	vld [tilespmem:$0x250]  }
0x85: {  	v10 =	vld [tilespmem:$0x5210];
	v5 =	vmul.f32 v6, v5;
	v4 =	vmul.f32 v4, v1;
	_ =	sdelay $0x1  }
0x86: {  	v4 =	vadd.f32 v5, v4;
	v2 =	vmul.f32 v2, v3;
	v3 =	vmul.f32 v7, v1;
	_ =	sdelay $0x1  }
0x87: {  	(xrf2) =	vadd.scan.msk.f32 $0xffff, v4  }
0x88: {  	v4 =	vmul.f32 v10, v8;
	v1 =	vmul.f32 v9, v1;
	v2 =	vadd.f32 v2, v3  }
0x89: {  	v3, _, _ =	vpop (xrf2)  }
0x8a: {  	s18 =	simm.s32 $0x1;
	v1 =	vadd.f32 v4, v1;
	(xrf2) =	vadd.scan.msk.f32 $0xffff, v2;
	v3 =	vmul.f32 $1.442695020e+00, v3  }
0x8b: {  	s18 =	smin.u32 s18, $0x4F  }
0x8c: {  	s19 =	sshll.u32 s18, $0x7;
	(xrf2) =	vadd.scan.msk.f32 $0xffff, v1;
	v1 =	vbroadcast v3, $0xF  }
0x8d: {  	v58 =	vld [tilespmem:s19+$0x200]  }
0x8e: {  	v11 =	vld [tilespmem:s19+$0x51F0];
	(erf) = vpow2.f32 v1  }
0x8f: {  	v13 =	vld [tilespmem:s19+$0x230]  }
0x90: {  	v60 =	vld [tilespmem:s19+$0x1F0]  }
0x91: {  	v15 =	vld [tilespmem:s19+$0x220];
	v6, _, _ =	vpop (xrf2)  }
0x92: {  	s15 =	simm.s32 $0x5250;
	v16 =	vld [tilespmem:s19+$0x1E0];
	v6 =	vmul.f32 $1.442695020e+00, v6  }
0x93: {  	s20 =	sshll.u32 s18, $0x4;
	v2 =	vld [tilespmem:s15+$0xFFFFFFD0]  }
0x94: {  	v61 =	vld [tilespmem:s20+$0xA1E0];
	v6 =	vbroadcast v6, $0xF;
	v59, _, _ =	vpop (xrf2)  }
0x95: {  	v5 =	vld [tilespmem:s19+$0x51E0];
	v10 =	vmul.f32 $1.442695020e+00, v59  }
0x96: {  	v7 =	vld [tilespmem:s19+$0x210];
	(erf) = vpow2.f32 v6;
	v12, _, _ =	vpop (xrf2)  }
0x97: {  	v8 =	vld [tilespmem:s19+$0x5200];
	v10 =	vbroadcast v10, $0xF;
	v14 =	vpop (erf)  }
0x98: {  	v3 =	vld [tilespmem:s19+$0x5210];
	v6 =	vmul.f32 $1.442695020e+00, v12;
	v2 =	vmul.f32 v2, v14  }
0x99: {  	s18 =	simm.s32 $0xAC00;
	v4 =	vld [tilespmem:s19+$0x240];
	(erf) = vpow2.f32 v10  }
0x9a: {  	v1 =	vld [tilespmem:s19+$0x250];
	v6 =	vbroadcast v6, $0xF;
	[tilespmem:s18+$0xFFFFFFE0] =	vst v2  }
0x9b: {  	v2 =	vld [tilespmem:s15+$0xFFFFFFE0]  }
0x9c: {  	(erf) = vpow2.f32 v6  }
0x9d: {  	v6 =	vmul.f32 v3, v7  }
0x9e: {  	v3 =	vmul.f32 v5, v16;
	v5 =	vmul.f32 v15, v61  }
0x9f: {  	v8 =	vmul.f32 v8, v58;
	v7 =	vpop (erf)  }
0xa0: {  	v4 =	vmul.f32 v4, v61;
	v5 =	vadd.f32 v3, v5;
	v2 =	vmul.f32 v2, v7  }
0xa1: {  	v11 =	vmul.f32 v11, v60;
	v62 =	vnsel vm0, $0x0, v14;
	v10 =	vmul.f32 v1, v61  }
0xa2: {  	v8 =	vadd.f32 v8, v4;
	v4 =	vsel vm1, v62, v7;
	(xrf2) =	vadd.scan.msk.f32 $0xffff, v5;
	v3 =	vpop (erf);
	[tilespmem:s18+$0xFFFFFFF0] =	vst v2  }
0xa3: {  	v63 =	vmul.f32 v13, v61;
	v2 =	vsel vm2, v4, v3;
	v4 =	vadd.f32 v6, v10;
	v6 =	vld [tilespmem:s15+$0xFFFFFFF0];
	_ =	sdelay $0x1  }
0xa4: {  	s23 =	simm.s32 $0x2;
	s20 =	simm.s32 $0xAC00;
	s19 =	simm.s32 $0x5250;
	v5 =	vadd.f32 v11, v63;
	(xrf2) =	vadd.scan.msk.f32 $0xffff, v8;
	v1 =	vpop (erf)  }
.LBB2_5:
0xa5: {  	p0 =	sne.s32 s23, $0x50;
	s18 =	sadd.s32 $0x50, s18;
	s15 =	sadd.s32 $0x80, s15  }
0xa6: {  	s21 =	smov.u32 s23;
	s23 =	sadd.s32 $0x1, s23  }
0xa7: {  	v3 =	vmul.f32 v6, v3;
	(xrf2) =	vadd.scan.msk.f32 $0xffff, v5;
	_ =	sdelay $0x1  }
0xa8: {  	[tilespmem:s20+$0x0] =	vst v3  }
0xa9: {  	v5 =	vsel vm3, v2, v1;
	v3 =	vld [tilespmem:s19+$0x0];
	(xrf2) =	vadd.scan.msk.f32 $0xffff, v4;
	s19 =	smov.u32 s15  }
0xaa: {  	[tilespmem:s20+$0x20] =	vst v5;
	v2, _, _ =	vpop (xrf2)  }
0xab: {  	v2 =	vmul.f32 $1.442695020e+00, v2;
	_ =	sdelay $0x1  }
0xac: {  	v2 =	vbroadcast v2, $0xF;
	v4, _, _ =	vpop (xrf2)  }
0xad: {  	v4 =	vmul.f32 $1.442695020e+00, v4;
	v3 =	vmul.f32 v3, v1  }
0xae: {  	(erf) = vpow2.f32 v2  }
0xaf: {  	s21 =	smin.u32 s21, $0x4F;
	v6 =	vbroadcast v4, $0xF;
	[tilespmem:s20+$0x10] =	vst v3;
	v1, _, _ =	vpop (xrf2);
	s20 =	smov.u32 s18  }
0xb0: {  	s30 =	sshll.u32 s21, $0x4;
	s21 =	sshll.u32 s21, $0x7;
	v3 =	vld [tilespmem:s15+$0xFFFFFFD0];
	v1 =	vmul.f32 $1.442695020e+00, v1  }
0xb1: {  	v4 =	vld [tilespmem:s21+$0x5210];
	(erf) = vpow2.f32 v6  }
0xb2: {  	v5 =	vld [tilespmem:s21+$0x250];
	v1 =	vbroadcast v1, $0xF;
	v2, _, _ =	vpop (xrf2)  }
0xb3: {  	v6 =	vld [tilespmem:s21+$0x240];
	v2 =	vmul.f32 $1.442695020e+00, v2  }
0xb4: {  	v7 =	vld [tilespmem:s21+$0x51E0];
	(erf) = vpow2.f32 v1  }
0xb5: {  	v1 =	vld [tilespmem:s21+$0x210];
	v2 =	vbroadcast v2, $0xF  }
0xb6: {  	v8 =	vld [tilespmem:s21+$0x5200]  }
0xb7: {  	v9 =	vld [tilespmem:s21+$0x200];
	v10 =	vpop (erf);
	(erf) = vpow2.f32 v2  }
0xb8: {  	v2 =	vld [tilespmem:s21+$0x51F0]  }
0xb9: {  	v12 =	vmul.f32 v3, v10;
	v11 =	vld [tilespmem:s21+$0x230]  }
0xba: {  	v13 =	vld [tilespmem:s21+$0x1F0];
	v4 =	vmul.f32 v4, v1;
	v3 =	vpop (erf)  }
0xbb: {  	v14 =	vld [tilespmem:s21+$0x220]  }
0xbc: {  	v15 =	vld [tilespmem:s21+$0x1E0];
	v8 =	vmul.f32 v8, v9  }
0xbd: {  	v9 =	vld [tilespmem:s30+$0xA1E0];
	v16 =	vpop (erf)  }
0xbe: {  	v17 =	vnsel vm0, $0x0, v10;
	[tilespmem:s18+$0xFFFFFFE0] =	vst v12  }
0xbf: {  	v10 =	vmul.f32 v2, v13;
	v12 =	vld [tilespmem:s15+$0xFFFFFFE0];
	v13 =	vsel vm1, v17, v16  }
0xc0: {  	v2 =	vsel vm2, v13, v3;
	v1 =	vpop (erf)  }
0xc1: {  	v7 =	vmul.f32 v7, v15  }
0xc2: {  	v13 =	vmul.f32 v14, v9;
	v11 =	vmul.f32 v11, v9  }
0xc3: {  	v6 =	vmul.f32 v6, v9;
	v9 =	vmul.f32 v5, v9  }
0xc4: {  	v7 =	vadd.f32 v7, v13;
	v5 =	vadd.f32 v10, v11;
	v10 =	vmul.f32 v12, v16  }
.Ltmp1:
0xc5: {  	v8 =	vadd.f32 v8, v6;
	v4 =	vadd.f32 v4, v9;
	(pc) =	sbr.rel @p0 .LBB2_5-.Ltmp1, $3  }
0xc6: {  	[tilespmem:s18+$0xFFFFFFF0] =	vst v10;
	(xrf2) =	vadd.scan.msk.f32 $0xffff, v7  }
0xc7: {  	v6 =	vld [tilespmem:s15+$0xFFFFFFF0];
	_ =	sdelay $0x1  }
0xc8: {  	(xrf2) =	vadd.scan.msk.f32 $0xffff, v8  }
0xc9: {  	(xrf2) =	vadd.scan.msk.f32 $0xffff, v5  }
0xca: {  	(xrf2) =	vadd.scan.msk.f32 $0xffff, v4;
	_ =	sdelay $0x6  }
0xcb: {  	v4, _, _ =	vpop (xrf2)  }
0xcc: {  	v4 =	vmul.f32 $1.442695020e+00, v4;
	v5, _, _ =	vpop (xrf2)  }
0xcd: {  	v3 =	vmul.f32 v6, v3;
	v5 =	vmul.f32 $1.442695020e+00, v5;
	v6, _, _ =	vpop (xrf2)  }
0xce: {  	v4 =	vbroadcast v4, $0xF;
	v6 =	vmul.f32 $1.442695020e+00, v6;
	v7, _, _ =	vpop (xrf2)  }
0xcf: {  	v5 =	vbroadcast v5, $0xF;
	v7 =	vmul.f32 $1.442695020e+00, v7  }
0xd0: {  	(erf) = vpow2.f32 v4;
	v4 =	vbroadcast v6, $0xF  }
0xd1: {  	[tilespmem:s20+$0x0] =	vst v3;
	(erf) = vpow2.f32 v5;
	v5 =	vbroadcast v7, $0xF  }
0xd2: {  	v3 =	vld [tilespmem:s19+$0x0];
	(erf) = vpow2.f32 v4  }
0xd3: {  	(erf) = vpow2.f32 v5;
	_ =	sdelay $0x3  }
0xd4: {  	v2 =	vsel vm3, v2, v1;
	v1 =	vmul.f32 v3, v1;
	_ =	sdelay $0x1  }
0xd5: {  	v4 =	vpop (erf)  }
0xd6: {  	p0 =	seq.s32 s14, $0x7C;
	[tilespmem:s20+$0x20] =	vst v2;
	v2 =	vpop (erf)  }
0xd7: {  	s15 =	smul.u32 @!p0 $0xA0, s14;
	[tilespmem:s20+$0x10] =	vst v1;
	v1 =	vpop (erf)  }
0xd8: {  	[spmem:s3] =	stream.indirect.scatter.add.f32 [tilespmem:s10], [sflag:$0x7], $0x50, s4, s24, $0xb8;
	v1 =	vpop (erf);
	[tilespmem:$0x18830] =	vst v63  }
0xd9: {  	s15 =	sadd.s32 @!p0 s15, s16;
	_ =	swait.ge [sflag:s11], $0x1900  }
0xda: {  	s18 =	sshrl.u32 @!p0 s15, $0x3;
	[sflag:s11] =	ssyncset.done $0x0  }
0xdb: {  	s19 =	sadd.s32 @!p0 s8, s18;
	s20 =	simm.s32 @!p0 $0x0;
	[sflag:s11] =	ssyncadd.s32 $0xFFFFE700  }
0xdc: {  	[tilespmem:s20], [sflag:$0x1] =	stream.linear.gather @!p0 [hbm4b:s19+s20], $0x50, $0x38;
	[tilespmem:$0x18830] =	vst v63  }
0xdd: {  	s15 =	sshll.u32 @!p0 s15, $0x1;
	s18 =	sadd.s32 @!p0 s1, s18;
	s19 =	simm.s32 @!p0 $0xA0  }
0xde: {  	[tilespmem:s19], [sflag:$0x1] =	stream.linear.gather @!p0 [hbm4b:s18+s20], $0x50, $0x38;
	[tilespmem:$0x18830] =	vst v63  }
0xdf: {  	s15 =	sadd.s32 @!p0 s2, s15;
	s18 =	simm.s32 @!p0 $0xA1E0  }
0xe0: {  	[tilespmem:s18], [sflag:$0x1] =	stream.linear.gather @!p0 [hbm4b:s15+s20], $0x500, $0x38;
	[tilespmem:$0x18830] =	vst v63  }
0xe1: {  	s15 =	simm.s32 @!p0 $0x1  }
0xe2: {  	_ =	swait.ge @!p0 [sflag:s15], $0x50  }
0xe3: {  	[sflag:s15] =	ssyncset.done @!p0 $0x0  }
0xe4: {  	[sflag:s15] =	ssyncadd.s32 @!p0 $0xFFFFFFB0  }
0xe5: {  	_ =	swait.ge @!p0 [sflag:s15], $0x50  }
0xe6: {  	[sflag:s15] =	ssyncset.done @!p0 $0x0  }
0xe7: {  	[sflag:s15] =	ssyncadd.s32 @!p0 $0xFFFFFFB0  }
0xe8: {  	_ =	swait.ge @!p0 [sflag:s15], $0x500  }
0xe9: {  	[sflag:s15] =	ssyncset.done @!p0 $0x0  }
0xea: {  	[sflag:s15] =	ssyncadd.s32 @!p0 $0xFFFFFB00  }
0xeb: {  	v1 =	vld @!p0 [tilespmem:$0x0]  }
0xec: {  	v2 =	vld @!p0 [tilespmem:$0xA0]  }
0xed: {  	v3 =	vld @!p0 [tilespmem:$0x10]  }
0xee: {  	v4 =	vld @!p0 [tilespmem:$0xB0]  }
0xef: {  	v5 =	vld @!p0 [tilespmem:$0x20]  }
0xf0: {  	v6 =	vld @!p0 [tilespmem:$0xC0];
	v1 =	vadd.s32 @!p0 v0, v1  }
0xf1: {  	[tilespmem:$0x140] =	vst @!p0 v1;
	v1 =	vadd.s32 @!p0 v0, v2;
	v2 =	vld @!p0 [tilespmem:$0x30]  }
0xf2: {  	[tilespmem:$0xA0] =	vst @!p0 v1;
	v1 =	vadd.s32 @!p0 v0, v3;
	v3 =	vld @!p0 [tilespmem:$0xD0]  }
0xf3: {  	[tilespmem:$0x150] =	vst @!p0 v1;
	v1 =	vadd.s32 @!p0 v0, v4;
	v4 =	vld @!p0 [tilespmem:$0x40]  }
0xf4: {  	[tilespmem:$0xB0] =	vst @!p0 v1;
	v1 =	vadd.s32 @!p0 v0, v5;
	v5 =	vld @!p0 [tilespmem:$0xE0]  }
0xf5: {  	[tilespmem:$0x160] =	vst @!p0 v1;
	v1 =	vadd.s32 @!p0 v0, v6  }
0xf6: {  	[tilespmem:$0xC0] =	vst @!p0 v1;
	v1 =	vadd.s32 @!p0 v0, v2  }
0xf7: {  	[tilespmem:$0x170] =	vst @!p0 v1;
	v1 =	vadd.s32 @!p0 v0, v3  }
0xf8: {  	[tilespmem:$0xD0] =	vst @!p0 v1;
	v1 =	vadd.s32 @!p0 v0, v4  }
0xf9: {  	[tilespmem:$0x180] =	vst @!p0 v1;
	v1 =	vadd.s32 @!p0 v0, v5  }
0xfa: {  	s18 =	simm.s32 @!p0 $0x140;
	s20 =	simm.s32 @!p0 $0x1E0;
	s15 =	simm.s32 @!p0 $0x50;
	[tilespmem:$0xE0] =	vst @!p0 v1  }
0xfb: {  	[tilespmem:s20], [sflag:$0x3] =	stream.indirect.gather @!p0 [hbm4b:s6+s15], $0x80, s18, s15, $0xb8;
	[tilespmem:$0x18830] =	vst v63  }
0xfc: {  	s18 =	simm.s32 @!p0 $0x51E0  }
0xfd: {  	[tilespmem:s18], [sflag:$0x5] =	stream.indirect.gather @!p0 [hbm4b:s7+s15], $0x80, s19, s15, $0xb8;
	[tilespmem:$0x18830] =	vst v63  }
0xfe: {  	_ =	swait.ge [sflag:s12], $0x2800  }
0xff: {  	[sflag:s12] =	ssyncset.done $0x0  }
0x100: {  	[sflag:s12] =	ssyncadd.s32 $0xFFFFD800  }
0x101: {  	_ =	swait.ge [sflag:s13], $0x2800  }
0x102: {  	[sflag:s13] =	ssyncset.done $0x0  }
0x103: {  	[sflag:s13] =	ssyncadd.s32 $0xFFFFD800  }
0x104: {  	v1 =	vld [tilespmem:$0xA6E0]  }
0x105: {  	v2 =	vld [tilespmem:$0x29E0]  }
0x106: {  	v3 =	vld [tilespmem:$0x2A20]  }
0x107: {  	v4 =	vld [tilespmem:$0x79E0];
	_ =	sdelay $0x4  }
0x108: {  	v5 =	vld [tilespmem:$0x29F0];
	v2 =	vmul.f32 v4, v2;
	v3 =	vmul.f32 v3, v1  }
0x109: {  	v6 =	vld [tilespmem:$0x79F0]  }
0x10a: {  	v7 =	vld [tilespmem:$0x2A40];
	v2 =	vadd.f32 v2, v3  }
0x10b: {  	v4 =	vld [tilespmem:$0x2A30]  }
0x10c: {  	v3 =	vld [tilespmem:$0x2A00];
	(xrf2) =	vadd.scan.msk.f32 $0xffff, v2  }
0x10d: {  	v2 =	vld [tilespmem:$0x7A00]  }
0x10e: {  	v8 =	vld [tilespmem:$0x2A10]  }
0x10f: {  	v9 =	vld [tilespmem:$0x2A50]  }
0x110: {  	v10 =	vld [tilespmem:$0x7A10];
	v5 =	vmul.f32 v6, v5;
	v4 =	vmul.f32 v4, v1;
	_ =	sdelay $0x1  }
0x111: {  	v4 =	vadd.f32 v5, v4;
	v2 =	vmul.f32 v2, v3;
	v3 =	vmul.f32 v7, v1;
	_ =	sdelay $0x1  }
0x112: {  	(xrf2) =	vadd.scan.msk.f32 $0xffff, v4  }
0x113: {  	v4 =	vmul.f32 v10, v8;
	v1 =	vmul.f32 v9, v1;
	v2 =	vadd.f32 v2, v3  }
0x114: {  	v3, _, _ =	vpop (xrf2)  }
0x115: {  	s21 =	simm.s32 $0x1;
	v1 =	vadd.f32 v4, v1;
	(xrf2) =	vadd.scan.msk.f32 $0xffff, v2;
	v3 =	vmul.f32 $1.442695020e+00, v3  }
0x116: {  	s18 =	smin.u32 s21, $0x4F  }
0x117: {  	s23 =	sshll.u32 s18, $0x7;
	(xrf2) =	vadd.scan.msk.f32 $0xffff, v1;
	v1 =	vbroadcast v3, $0xF  }
0x118: {  	v58 =	vld [tilespmem:s23+$0x2A00]  }
0x119: {  	v11 =	vld [tilespmem:s23+$0x79F0];
	(erf) = vpow2.f32 v1  }
0x11a: {  	v13 =	vld [tilespmem:s23+$0x2A30]  }
0x11b: {  	v60 =	vld [tilespmem:s23+$0x29F0]  }
0x11c: {  	v15 =	vld [tilespmem:s23+$0x2A20];
	v6, _, _ =	vpop (xrf2)  }
0x11d: {  	s15 =	simm.s32 $0x7A50;
	v16 =	vld [tilespmem:s23+$0x29E0];
	v6 =	vmul.f32 $1.442695020e+00, v6  }
0x11e: {  	s30 =	sshll.u32 s18, $0x4;
	v2 =	vld [tilespmem:s15+$0xFFFFFFD0]  }
0x11f: {  	v61 =	vld [tilespmem:s30+$0xA6E0];
	v6 =	vbroadcast v6, $0xF;
	v59, _, _ =	vpop (xrf2)  }
0x120: {  	v5 =	vld [tilespmem:s23+$0x79E0];
	v10 =	vmul.f32 $1.442695020e+00, v59  }
0x121: {  	v7 =	vld [tilespmem:s23+$0x2A10];
	v12, _, _ =	vpop (xrf2);
	(erf) = vpow2.f32 v6  }
0x122: {  	v8 =	vld [tilespmem:s23+$0x7A00];
	v10 =	vbroadcast v10, $0xF;
	v14 =	vpop (erf)  }
0x123: {  	v3 =	vld [tilespmem:s23+$0x7A10];
	v6 =	vmul.f32 $1.442695020e+00, v12;
	v2 =	vmul.f32 v2, v14  }
0x124: {  	s18 =	simm.s32 $0xAC00;
	v4 =	vld [tilespmem:s23+$0x2A40];
	(erf) = vpow2.f32 v10  }
0x125: {  	v1 =	vld [tilespmem:s23+$0x2A50];
	v6 =	vbroadcast v6, $0xF;
	[tilespmem:s18+$0xFFFFFFE0] =	vst v2  }
0x126: {  	v2 =	vld [tilespmem:s15+$0xFFFFFFE0]  }
0x127: {  	(erf) = vpow2.f32 v6  }
0x128: {  	v6 =	vmul.f32 v3, v7  }
0x129: {  	v3 =	vmul.f32 v5, v16;
	v5 =	vmul.f32 v15, v61  }
0x12a: {  	v8 =	vmul.f32 v8, v58;
	v7 =	vpop (erf)  }
0x12b: {  	v4 =	vmul.f32 v4, v61;
	v5 =	vadd.f32 v3, v5;
	v2 =	vmul.f32 v2, v7  }
0x12c: {  	v11 =	vmul.f32 v11, v60;
	v10 =	vmul.f32 v1, v61;
	v62 =	vnsel vm0, $0x0, v14  }
0x12d: {  	v8 =	vadd.f32 v8, v4;
	(xrf2) =	vadd.scan.msk.f32 $0xffff, v5;
	v4 =	vsel vm1, v62, v7;
	v3 =	vpop (erf);
	[tilespmem:s18+$0xFFFFFFF0] =	vst v2  }
0x12e: {  	v63 =	vmul.f32 v13, v61;
	v2 =	vsel vm2, v4, v3;
	v4 =	vadd.f32 v6, v10;
	v6 =	vld [tilespmem:s15+$0xFFFFFFF0];
	_ =	sdelay $0x1  }
0x12f: {  	s20 =	simm.s32 $0xAC00;
	s19 =	simm.s32 $0x7A50;
	s23 =	simm.s32 $0x2;
	v5 =	vadd.f32 v11, v63;
	(xrf2) =	vadd.scan.msk.f32 $0xffff, v8;
	v1 =	vpop (erf)  }
.LBB2_7:
0x130: {  	p1 =	sne.s32 s23, $0x50;
	s18 =	sadd.s32 $0x50, s18;
	s15 =	sadd.s32 $0x80, s15  }
0x131: {  	s21 =	smov.u32 s23;
	s23 =	sadd.s32 $0x1, s23  }
0x132: {  	v3 =	vmul.f32 v6, v3;
	(xrf2) =	vadd.scan.msk.f32 $0xffff, v5;
	_ =	sdelay $0x1  }
0x133: {  	[tilespmem:s20+$0x0] =	vst v3  }
0x134: {  	v5 =	vsel vm3, v2, v1;
	v3 =	vld [tilespmem:s19+$0x0];
	(xrf2) =	vadd.scan.msk.f32 $0xffff, v4;
	s19 =	smov.u32 s15  }
0x135: {  	[tilespmem:s20+$0x20] =	vst v5;
	v2, _, _ =	vpop (xrf2)  }
0x136: {  	v2 =	vmul.f32 $1.442695020e+00, v2;
	_ =	sdelay $0x1  }
0x137: {  	v2 =	vbroadcast v2, $0xF;
	v4, _, _ =	vpop (xrf2)  }
0x138: {  	v4 =	vmul.f32 $1.442695020e+00, v4;
	v3 =	vmul.f32 v3, v1  }
0x139: {  	(erf) = vpow2.f32 v2  }
0x13a: {  	s21 =	smin.u32 s21, $0x4F;
	v6 =	vbroadcast v4, $0xF;
	[tilespmem:s20+$0x10] =	vst v3;
	v1, _, _ =	vpop (xrf2);
	s20 =	smov.u32 s18  }
0x13b: {  	s30 =	sshll.u32 s21, $0x4;
	s21 =	sshll.u32 s21, $0x7;
	v3 =	vld [tilespmem:s15+$0xFFFFFFD0];
	v1 =	vmul.f32 $1.442695020e+00, v1  }
0x13c: {  	v4 =	vld [tilespmem:s21+$0x7A10];
	(erf) = vpow2.f32 v6  }
0x13d: {  	v5 =	vld [tilespmem:s21+$0x2A50];
	v1 =	vbroadcast v1, $0xF;
	v2, _, _ =	vpop (xrf2)  }
0x13e: {  	v6 =	vld [tilespmem:s21+$0x2A40];
	v2 =	vmul.f32 $1.442695020e+00, v2  }
0x13f: {  	v7 =	vld [tilespmem:s21+$0x79E0];
	(erf) = vpow2.f32 v1  }
0x140: {  	v1 =	vld [tilespmem:s21+$0x2A10];
	v2 =	vbroadcast v2, $0xF  }
0x141: {  	v8 =	vld [tilespmem:s21+$0x7A00]  }
0x142: {  	v9 =	vld [tilespmem:s21+$0x2A00];
	v10 =	vpop (erf);
	(erf) = vpow2.f32 v2  }
0x143: {  	v2 =	vld [tilespmem:s21+$0x79F0]  }
0x144: {  	v12 =	vmul.f32 v3, v10;
	v11 =	vld [tilespmem:s21+$0x2A30]  }
0x145: {  	v13 =	vld [tilespmem:s21+$0x29F0];
	v4 =	vmul.f32 v4, v1;
	v3 =	vpop (erf)  }
0x146: {  	v14 =	vld [tilespmem:s21+$0x2A20]  }
0x147: {  	v15 =	vld [tilespmem:s21+$0x29E0];
	v8 =	vmul.f32 v8, v9  }
0x148: {  	v9 =	vld [tilespmem:s30+$0xA6E0];
	v16 =	vpop (erf)  }
0x149: {  	v17 =	vnsel vm0, $0x0, v10;
	[tilespmem:s18+$0xFFFFFFE0] =	vst v12  }
0x14a: {  	v10 =	vmul.f32 v2, v13;
	v12 =	vld [tilespmem:s15+$0xFFFFFFE0];
	v13 =	vsel vm1, v17, v16  }
0x14b: {  	v2 =	vsel vm2, v13, v3;
	v1 =	vpop (erf)  }
0x14c: {  	v7 =	vmul.f32 v7, v15  }
0x14d: {  	v13 =	vmul.f32 v14, v9;
	v11 =	vmul.f32 v11, v9  }
0x14e: {  	v6 =	vmul.f32 v6, v9;
	v9 =	vmul.f32 v5, v9  }
0x14f: {  	v7 =	vadd.f32 v7, v13;
	v5 =	vadd.f32 v10, v11;
	v10 =	vmul.f32 v12, v16  }
.Ltmp2:
0x150: {  	v8 =	vadd.f32 v8, v6;
	v4 =	vadd.f32 v4, v9;
	(pc) =	sbr.rel @p1 .LBB2_7-.Ltmp2, $3  }
0x151: {  	[tilespmem:s18+$0xFFFFFFF0] =	vst v10;
	(xrf2) =	vadd.scan.msk.f32 $0xffff, v7  }
0x152: {  	v6 =	vld [tilespmem:s15+$0xFFFFFFF0];
	_ =	sdelay $0x1  }
0x153: {  	(xrf2) =	vadd.scan.msk.f32 $0xffff, v8  }
0x154: {  	(xrf2) =	vadd.scan.msk.f32 $0xffff, v5  }
0x155: {  	(xrf2) =	vadd.scan.msk.f32 $0xffff, v4;
	_ =	sdelay $0x6  }
0x156: {  	v58, _, _ =	vpop (xrf2)  }
0x157: {  	v4 =	vmul.f32 $1.442695020e+00, v58;
	v59, _, _ =	vpop (xrf2)  }
0x158: {  	v3 =	vmul.f32 v6, v3;
	v5 =	vmul.f32 $1.442695020e+00, v59;
	v60, _, _ =	vpop (xrf2)  }
0x159: {  	v4 =	vbroadcast v4, $0xF;
	v6 =	vmul.f32 $1.442695020e+00, v60;
	v7, _, _ =	vpop (xrf2)  }
0x15a: {  	v5 =	vbroadcast v5, $0xF;
	v7 =	vmul.f32 $1.442695020e+00, v7  }
0x15b: {  	(erf) = vpow2.f32 v4;
	v61 =	vbroadcast v6, $0xF  }
0x15c: {  	[tilespmem:s20+$0x0] =	vst v3;
	(erf) = vpow2.f32 v5;
	v62 =	vbroadcast v7, $0xF  }
0x15d: {  	v3 =	vld [tilespmem:s19+$0x0];
	(erf) = vpow2.f32 v61  }
0x15e: {  	(erf) = vpow2.f32 v62;
	_ =	sdelay $0x3  }
0x15f: {  	v2 =	vsel vm3, v2, v1;
	v1 =	vmul.f32 v3, v1;
	_ =	sdelay $0x1  }
0x160: {  	v63 =	vpop (erf)  }
0x161: {  	[tilespmem:s20+$0x20] =	vst v2;
	v2 =	vpop (erf)  }
.Ltmp3:
0x162: {  	[tilespmem:s20+$0x10] =	vst v1;
	v1 =	vpop (erf);
	(pc) =	sbr.rel @p0 .LBB2_10-.Ltmp3, $4  }
0x163: {  	[spmem:s3] =	stream.indirect.scatter.add.f32 [tilespmem:s10], [sflag:$0x7], $0x50, s24, s24, $0xb8;
	v1 =	vpop (erf);
	[tilespmem:$0x18830] =	vst v63  }
0x164: {  	_ =	swait.ge [sflag:s11], $0x1900  }
0x165: {  	[sflag:s11] =	ssyncset.done $0x0  }
0x166: {  	[sflag:s11] =	ssyncadd.s32 $0xFFFFE700  }
0x167: {  	s15 =	smul.u32 $0xA0, s14;
	_ =	sdelay $0x1  }
0x168: {  	s15 =	sadd.s32 s15, s17  }
0x169: {  	s18 =	sshrl.u32 s15, $0x3  }
0x16a: {  	s19 =	sadd.s32 s8, s18  }
0x16b: {  	[tilespmem:s24], [sflag:$0x2] =	stream.linear.gather [hbm4b:s19+s4], $0x50, $0x38;
	[tilespmem:$0x18830] =	vst v63  }
.Ltmp4:
0x16c: {  	_ = 	snop;
	(pc) =	sbr.rel .LBB2_4-.Ltmp4, $4  }
0x16d: {  	s15 =	sshll.u32 s15, $0x1;
	s18 =	sadd.s32 s1, s18  }
0x16e: {  	[tilespmem:s29], [sflag:$0x2] =	stream.linear.gather [hbm4b:s18+s4], $0x50, $0x38;
	[tilespmem:$0x18830] =	vst v63  }
0x16f: {  	s30 =	simm.s32 $0xA6E0;
	s14 =	sadd.s32 $0x1, s14;
	s15 =	sadd.s32 s2, s15  }
0x170: {  	[tilespmem:s30], [sflag:$0x2] =	stream.linear.gather [hbm4b:s15+s4], $0x500, $0x38;
	[tilespmem:$0x18830] =	vst v63  }
.LBB2_10:
0x171: {  	s14 =	sadd.s32 $0x0, s5;
	[bflag:$0x0] =	sbarrier.arrive $0xFFFF  }
0x172: {  	p0 =	sgt.u32 s14, $0x4E1;
	s20 =	rddreg [dreg:$0xc]  }
0x173: {  	s21 =	rddreg [dreg:$0xd];
	s14 =	sshll.u32 @!p0 s5, $0x6  }
0x174: {  	s15 =	sshrl.u32 @!p0 s20, $0x3;
	s19 =	simm.s32 @!p0 $0x7;
	s14 =	sor.u32 @!p0 $0x1C07, s14  }
0x175: {  	[hbm:s21], [sflag:s14] =	dma.local @!p0 [spmem:s15], $0x50  }
0x176: {  	s18 =	simm.s32 $0x20;
	s14 =	sadd.s32 $0x2800, s20;
	_ =	swait.ge @!p0 [sflag:s19], $0x50  }
0x177: {  	s20 =	sadd.s32 $0x10, s5;
	s15 =	sadd.s32 $0x500, s21;
	[sflag:s19] =	ssyncset.done @!p0 $0x0  }
.LBB2_11:
0x178: {  	[sflag:s19] =	ssyncadd.s32 @!p0 $0xFFFFFFB0  }
0x179: {  	p0 =	sgt.u32 s20, $0x4E1;
	s20 =	smov.u32 s18;
	s18 =	sadd.s32 $0x10, s18  }
0x17a: {  	p1 =	sne.s32 s18, $0x4F0  }
.Ltmp5:
0x17b: {  	s19 =	sshll.u32 @!p0 s5, $0x6;
	s21 =	sshrl.u32 @!p0 s14, $0x3;
	(pc) =	sbr.rel @p1 .LBB2_11-.Ltmp5, $4  }
0x17c: {  	s23 =	sor.u32 @!p0 $0x1C07, s19;
	s19 =	simm.s32 @!p0 $0x7  }
0x17d: {  	[hbm:s15], [sflag:s23] =	dma.local @!p0 [spmem:s21], $0x50  }
0x17e: {  	s14 =	sadd.s32 $0x2800, s14;
	_ =	swait.ge @!p0 [sflag:s19], $0x50  }
0x17f: {  	s20 =	sadd.s32 s20, s5;
	s15 =	sadd.s32 $0x500, s15;
	[sflag:s19] =	ssyncset.done @!p0 $0x0  }
0x180: {  	p1 =	sgt.u32 s20, $0x4E1  }
0x181: {  	[sflag:s19] =	ssyncadd.s32 @!p0 $0xFFFFFFB0;
	s18 =	sshll.u32 @!p1 s5, $0x6  }
0x182: {  	s14 =	sshrl.u32 @!p1 s14, $0x3;
	s19 =	simm.s32 @!p1 $0x7;
	s18 =	sor.u32 @!p1 $0x1C07, s18  }
0x183: {  	[hbm:s15], [sflag:s18] =	dma.local @!p1 [spmem:s14], $0x50  }
0x184: {  	_ =	swait.ge @!p1 [sflag:s19], $0x50  }
0x185: {  	s23 =	rddreg [dreg:$0xe]  }
0x186: {  	s30 =	rddreg [dreg:$0xb];
	s15 =	sadd.s32 $0x1, s23  }
0x187: {  	p0 =	sne.s32 s15, s30  }
.Ltmp6:
0x188: {  	_ = 	snop;
	(pc) =	sbr.rel @p0 .LBB2_1-.Ltmp6, $3  }
0x189: {  	_ =	sdelay $0x1  }
0x18a: {  	[sflag:s19] =	ssyncset.done @!p1 $0x0  }
0x18b: {  	[sflag:s19] =	ssyncadd.s32 @!p1 $0xFFFFFFB0  }
0x18c: {  	_ =	sfence.sel $0x180000  }
0x18d: {  	[bflag:$0x0] =	sbarrier.arrive $0xFFFF  }
0x18e: {  	_ =	strace $0x90000047  }
0x18f: {  	[bflag:$0x2] =	sbarrier.arrive $0xFFFF  }
0x190: {  	p0 =	sne.s32 s5, $0x0;
	s0 =	rddreg [dreg:$0x4]  }
0x191: {  	s0 =	sadd.s32 @!p0 $0x100000, s0  }
0x192: {  	[sflag:s0] =	ssyncadd.tile.s32 @!p0 $0x1;
	_ =	shalt  }
.Lfunc_end2:
_tile_overlayer_lowered:
.L_overlay_start_2:
0x193: {  	(tag) =	ssettag $0x2  }
0x194: {  	s0 =	rddreg [dreg:$0x0];
	s2 =	stileid.u32  }
0x195: {  	s1 =	rddreg [dreg:$0x1];
	p0 =	sne.s32 s2, $0x0  }
0x196: {  	s3 =	rddreg [dreg:$0x2];
	[bflag:$0x3] =	sbarrier.arrive $0xFFFF;
	s2 =	simm.s32 @!p0 $0x1C07  }
0x197: {  	[timem:s3], [sflag:s2] =	dma.local @!p0 [hbm:s0], s1  }
0x198: {  	s0 =	simm.s32 @!p0 $0x7  }
0x199: {  	_ =	swait.ge @!p0 [sflag:s0], s1  }
0x19a: {  	s1 =	ssub.s32 @!p0 $0x0, s1;
	[sflag:s0] =	ssyncset.done @!p0 $0x0  }
0x19b: {  	[sflag:s0] =	ssyncadd.s32 @!p0 s1  }
0x19c: {  	[bflag:$0x3] =	sbarrier.arrive $0xFFFF  }
0x19d: {  	_ =	shalt  }

</sc_bundles>
